<compile_context>
chip_gen: v7x
topology: tpu7x:2x2x1
jax: 0.10.2.dev20260603
libtpu: 0.0.44.dev20260713+nightly
codegen_flags: <defaults>
</compile_context>

<pallas_src>
import functools

import jax
import jax.numpy as jnp
from jax import lax
from jax.experimental import pallas as pl
from jax.experimental.pallas import tpu as pltpu
from jax.experimental.pallas import tpu_sc as plsc

_TOP_K = 8
_MIX = 0.25
_BW = 10.0
_CHUNK = 4000
_NC = 2
_NS = 16
_NW = _NC * _NS


def _topk_body(k_total, qm2T_ref, ones_ref, keys_ref, best_d_ref, best_i_ref,
               best_p_ref):
    i = pl.program_id(0)
    ng = pl.num_programs(0)
    c = keys_ref.shape[0]
    q = qm2T_ref.shape[1]
    k = keys_ref[...]
    s = jnp.dot(k, qm2T_ref[...], preferred_element_type=jnp.float32)
    ksq8 = jnp.dot(k * k, ones_ref[...], preferred_element_type=jnp.float32)
    ksqb = jnp.broadcast_to(ksq8[:, 0:1], (c, q))
    qt = qm2T_ref[...]
    qsq = 0.25 * jnp.sum(qt * qt, axis=0, keepdims=True)
    d = (s + ksqb) + qsq
    rowl = lax.broadcasted_iota(jnp.int32, d.shape, 0)
    if (k_total % c) != 0:
        d = jnp.where(rowl + i * c < k_total, d, jnp.inf)
    w = (lax.bitcast_convert_type(d, jnp.int32) & jnp.int32(-4096)) | rowl
    imax = jnp.iinfo(jnp.int32).max

    f = w
    while f.shape[0] > 250:
        h2 = f.shape[0] // 2
        f = jnp.minimum(f[:h2], f[h2:])

    cp, cg = [], []
    m = jnp.min(f, axis=0, keepdims=True)
    for _ in range(_TOP_K):
        cp.append(m)
        cg.append((m & jnp.int32(4095)) + i * c)
        m = jnp.min(jnp.where(f > m, f, imax), axis=0, keepdims=True)
    ctp = jnp.concatenate(cp, axis=0)
    ctg = jnp.concatenate(cg, axis=0)

    @pl.when(i == 0)
    def _():
        best_p_ref[...] = ctp
        best_i_ref[...] = ctg

    @pl.when(i > 0)
    def _():
        wp = jnp.concatenate([best_p_ref[...], ctp], axis=0)
        wg = jnp.concatenate([best_i_ref[...], ctg], axis=0)
        np_, ng_ = [], []
        for _ in range(_TOP_K):
            mm = jnp.min(wp, axis=0, keepdims=True)
            gg = jnp.min(jnp.where(wp == mm, wg, imax), axis=0, keepdims=True)
            np_.append(mm)
            ng_.append(gg)
            wp = jnp.where((wp == mm) & (wg == gg), imax, wp)
        best_p_ref[...] = jnp.concatenate(np_, axis=0)
        best_i_ref[...] = jnp.concatenate(ng_, axis=0)

    @pl.when(i == ng - 1)
    def _():
        best_d_ref[...] = lax.bitcast_convert_type(
            best_p_ref[...] & jnp.int32(-4096), jnp.float32)


def _topk(qm2T, db_keys, interpret=False):
    h, q = qm2T.shape
    k_total = db_keys.shape[0]
    grid = (k_total + _CHUNK - 1) // _CHUNK
    ones = jnp.ones((h, 8), jnp.float32)
    return pl.pallas_call(
        functools.partial(_topk_body, k_total),
        grid=(grid,),
        in_specs=[
            pl.BlockSpec((h, q), lambda i: (0, 0)),
            pl.BlockSpec((h, 8), lambda i: (0, 0)),
            pl.BlockSpec((_CHUNK, h), lambda i: (i, 0)),
        ],
        out_specs=[
            pl.BlockSpec((_TOP_K, q), lambda i: (0, 0)),
            pl.BlockSpec((_TOP_K, q), lambda i: (0, 0)),
        ],
        out_shape=[
            jax.ShapeDtypeStruct((_TOP_K, q), jnp.float32),
            jax.ShapeDtypeStruct((_TOP_K, q), jnp.int32),
        ],
        scratch_shapes=[pltpu.VMEM((_TOP_K, q), jnp.int32)],
        interpret=interpret,
    )(qm2T, ones, db_keys)


def _mix_body(lg_ref, acc_ref, out_ref):
    lg = lg_ref[...]
    m = jnp.max(lg, axis=1, keepdims=True)
    e = jnp.exp(lg - m)
    sm = e / jnp.sum(e, axis=1, keepdims=True)
    out_ref[...] = jnp.log((1.0 - _MIX) * sm + _MIX * acc_ref[...])


def _mix(lg, acc, interpret=False):
    q, v = lg.shape
    rb = 32
    return pl.pallas_call(
        _mix_body,
        grid=(q // rb,),
        in_specs=[
            pl.BlockSpec((rb, v), lambda i: (i, 0)),
            pl.BlockSpec((rb, v), lambda i: (i, 0)),
        ],
        out_specs=pl.BlockSpec((rb, v), lambda i: (i, 0)),
        out_shape=jax.ShapeDtypeStruct((q, v), jnp.float32),
        interpret=interpret,
    )(lg, acc)


def _bfly(x, step):
    idx = lax.iota(jnp.int32, 16) ^ step
    return x.at[idx].get(mode="promise_in_bounds")


def _rot8(x, r):
    i = lax.iota(jnp.int32, 16)
    idx = (i & ~jnp.int32(7)) | ((i + r) & jnp.int32(7))
    return x.at[idx].get(mode="promise_in_bounds")


def _sc_combine(bi_flat, bd_flat, db_token_ids, q, v):
    n = bi_flat.shape[0]
    epw = n // _NW
    total = q * v
    per_w = total // _NW
    zchunk = 16000
    nz = per_w // zchunk
    assert per_w % zchunk == 0 and zchunk % 16 == 0
    mesh = plsc.VectorSubcoreMesh(
        core_axis_name="c", subcore_axis_name="s",
        num_cores=_NC, num_subcores=_NS)

    @functools.partial(
        pl.kernel,
        out_type=jax.ShapeDtypeStruct((total,), jnp.float32),
        mesh=mesh,
        scratch_types=[
            pltpu.VMEM((zchunk,), jnp.float32),
            pltpu.VMEM((epw,), jnp.int32),
            pltpu.VMEM((epw,), jnp.int32),
            pltpu.VMEM((epw,), jnp.float32),
            pltpu.VMEM((epw,), jnp.int32),
            pltpu.VMEM((epw,), jnp.float32),
            pltpu.SemaphoreType.DMA,
        ],
    )
    def k(bi_hbm, bd_hbm, tok_hbm, acc_hbm, zbuf, idx_v, t_v, d_v, f_v, w_v,
          sem):
        wid = lax.axis_index("s") * _NC + lax.axis_index("c")
        base = wid * epw
        pltpu.sync_copy(bi_hbm.at[pl.ds(base, epw)], idx_v)
        gat = pltpu.async_copy(tok_hbm.at[idx_v], t_v, sem)
        pltpu.sync_copy(bd_hbm.at[pl.ds(base, epw)], d_v)

        def zinit(i, carry):
            zbuf[pl.ds(i * 16, 16)] = jnp.zeros((16,), jnp.float32)
            return carry

        lax.fori_loop(0, zchunk // 16, zinit, 0)
        zb = wid * per_w
        for j in range(nz):
            pltpu.sync_copy(zbuf, acc_hbm.at[pl.ds(zb + j * zchunk, zchunk)])
        gat.wait()

        for j in range(epw // 16):
            sl = pl.ds(j * 16, 16)
            d = d_v[sl]
            dmin = d
            for st in (1, 2, 4):
                dmin = jnp.minimum(dmin, _bfly(dmin, st))
            w = jnp.exp((dmin - d) * (1.0 / _BW))
            s = w
            for st in (1, 2, 4):
                s = s + _bfly(s, st)
            w = w / s
            t = t_v[sl]
            wt = w
            for r in range(1, _TOP_K):
                wt = wt + jnp.where(_rot8(t, r) == t, _rot8(w, r), 0.0)
            e = base + j * 16 + lax.iota(jnp.int32, 16)
            f_v[sl] = lax.shift_right_logical(e, 3) * v + t
            w_v[sl] = wt
        pltpu.async_copy(w_v, acc_hbm.at[f_v], sem).wait()

    return k(bi_flat, bd_flat, db_token_ids)


def kernel(hidden, logits, db_keys, db_token_ids):
    b, s, h = hidden.shape
    v = logits.shape[-1]
    q = b * s
    qm = hidden.reshape(q, h)
    lg = logits.reshape(q, v)

    best_d, best_i = _topk((-2.0 * qm).T, db_keys)

    bi_flat = best_i.T.reshape(-1)
    bd_flat = best_d.T.reshape(-1)
    acc = _sc_combine(bi_flat, bd_flat, db_token_ids, q, v)

    out = _mix(lg, acc.reshape(q, v))
    return out.reshape(b, s, v)

# --- scband reference (transcript-rebuilt; emitter-appended) ---
"""Pipeline reference for scband-static-combiner-71141838291070 (READ-ONLY COPY).

The authoritative reference and input builder live on the scoring server;
editing this copy changes nothing except your own understanding.
"""

import jax, jax.numpy as jnp
import numpy as np

TOP_K = 8
MIXING_WEIGHT = 0.25
BANDWIDTH = 10.0

B, S, H = 16, 8, 512
V = 32000
K_DB = 100000


def setup_inputs(seed: int = 0) -> dict:
    key = jax.random.key(seed)
    k1, k2, k3, k4 = jax.random.split(key, 4)
    hidden = jax.random.normal(k1, (B, S, H), dtype=jnp.float32)
    logits = jax.random.normal(k2, (B, S, V), dtype=jnp.float32)
    db_keys = jax.random.normal(k3, (K_DB, H), dtype=jnp.float32)
    db_token_ids = jax.random.randint(k4, (K_DB,), 0, V, dtype=jnp.int32)
    return {
        "hidden": hidden,
        "logits": logits,
        "db_keys": db_keys,
        "db_token_ids": db_token_ids,
    }


def reference(hidden, logits, db_keys, db_token_ids):
    b, s, h_dim = hidden.shape
    vocab_size = logits.shape[-1]
    q = hidden.reshape(b * s, h_dim)
    lg = logits.reshape(b * s, vocab_size)

    # model-based distribution
    model_based_distribution = jax.nn.softmax(lg, axis=-1)

    # database.search: exact L2 kNN over datastore keys
    q_sq = jnp.sum(q * q, axis=-1, keepdims=True)              # (Q, 1)
    k_sq = jnp.sum(db_keys * db_keys, axis=-1)[None, :]        # (1, K)
    sq_dists = q_sq - 2.0 * (q @ db_keys.T) + k_sq             # (Q, K)
    neg_top, nn_idx = jax.lax.top_k(-sq_dists, TOP_K)          # smallest distances
    distances = -neg_top                                        # (Q, top_k)
    token_indices = db_token_ids[nn_idx]                        # (Q, top_k)

    # kernel.compute_example_based_distribution: gaussian kernel softmax over -d/bandwidth
    kernel_weights = jax.nn.softmax(-distances / BANDWIDTH, axis=-1)  # (Q, top_k)
    rows = jnp.broadcast_to(jnp.arange(b * s)[:, None], token_indices.shape)
    example_based_distribution = jnp.zeros((b * s, vocab_size), dtype=q.dtype)
    example_based_distribution = example_based_distribution.at[rows, token_indices].add(kernel_weights)

    mixed_distribution = (1.0 - MIXING_WEIGHT) * model_based_distribution \
        + MIXING_WEIGHT * example_based_distribution
    log_probs = jnp.log(mixed_distribution)
    return log_probs.reshape(b, s, vocab_size)

if __name__ == "__main__":
    import jax
    _d = setup_inputs()
    print(jax.jit(kernel)(*tuple(_d.values())))

</pallas_src>

<mosaic_0001>
#map = affine_map<(d0, d1) -> (0)>
module attributes {stable_mosaic.version = 14 : i64} {
  func.func @k(%arg0: i32, %arg1: i32, %arg2: memref<1024xi32, #tpu.memory_space<hbm>>, %arg3: memref<1024xf32, #tpu.memory_space<hbm>>, %arg4: memref<100000xi32, #tpu.memory_space<hbm>>, %arg5: memref<4096000xf32, #tpu.memory_space<hbm>>, %arg6: memref<16000xf32, #tpu.memory_space<vmem>>, %arg7: memref<32xi32, #tpu.memory_space<vmem>>, %arg8: memref<32xi32, #tpu.memory_space<vmem>>, %arg9: memref<32xf32, #tpu.memory_space<vmem>>, %arg10: memref<32xi32, #tpu.memory_space<vmem>>, %arg11: memref<32xf32, #tpu.memory_space<vmem>>, %arg12: memref<!tpu.dma_semaphore, #tpu.memory_space<semaphore_mem>>) attributes {dimension_semantics = [#tpu.dimension_semantics<core_parallel>, #tpu.dimension_semantics<subcore_parallel>], iteration_bounds = array<i64: 2, 16>, scalar_prefetch = 0 : i64, scratch_operands = 7 : i64, tpu.core_type = #tpu.core_type<sc_vector_subcore>, window_params = [{transform_indices = #map}, {transform_indices = #map}, {transform_indices = #map}, {transform_indices = #map}]} {
    %mul3A = arith.constant 2 : i32
    %mul3A_0 = arith.muli %arg1, %mul3A : i32
    %add3A = arith.addi %mul3A_0, %arg0 : i32
    %mul3A_1 = arith.constant 32 : i32
    %mul3A_2 = arith.muli %add3A, %mul3A_1 : i32
    "tpu.region"() ({
      %run_scoped3A = tpu.sem_alloc : memref<!tpu.dma_semaphore, #tpu.memory_space<semaphore_mem>>
      %dma_start3A_972 = tpu.memref_slice %arg2[%mul3A_2] : memref<1024xi32, #tpu.memory_space<hbm>> -> memref<32xi32, #tpu.memory_space<hbm>>
      %dma_start3A_973 = tpu.memref_slice %arg2[%mul3A_2] : memref<1024xi32, #tpu.memory_space<hbm>> -> memref<32xi32, #tpu.memory_space<hbm>>
      tpu.enqueue_dma source(%dma_start3A_973 : memref<32xi32, #tpu.memory_space<hbm>>) target(%arg7 : memref<32xi32, #tpu.memory_space<vmem>>) target_semaphore(%run_scoped3A : memref<!tpu.dma_semaphore, #tpu.memory_space<semaphore_mem>>)
      %dma_wait3A_974 = tpu.memref_slice %arg2[%mul3A_2] : memref<1024xi32, #tpu.memory_space<hbm>> -> memref<32xi32, #tpu.memory_space<hbm>>
      %dma_wait3A_975 = tpu.memref_slice %arg2[%mul3A_2] : memref<1024xi32, #tpu.memory_space<hbm>> -> memref<32xi32, #tpu.memory_space<hbm>>
      tpu.wait_dma2 semaphore(%run_scoped3A : memref<!tpu.dma_semaphore, #tpu.memory_space<semaphore_mem>>) src(%dma_wait3A_975 : memref<32xi32, #tpu.memory_space<hbm>>) dst(%arg7 : memref<32xi32, #tpu.memory_space<vmem>>)
      tpu.yield
    }) : () -> ()
    %dma_start3A = arith.constant 0 : i32
    %dma_start3A_3 = tpu.memref_slice %arg4[%dma_start3A] : memref<100000xi32, #tpu.memory_space<hbm>> -> memref<100000xi32, #tpu.memory_space<hbm>>
    tpu.enqueue_indirect_dma source(%dma_start3A_3 : memref<100000xi32, #tpu.memory_space<hbm>>) target(%arg8 : memref<32xi32, #tpu.memory_space<vmem>>) offsets(%arg7 : memref<32xi32, #tpu.memory_space<vmem>>) semaphore(%arg12 : memref<!tpu.dma_semaphore, #tpu.memory_space<semaphore_mem>>)
    "tpu.region"() ({
      %run_scoped3A = tpu.sem_alloc : memref<!tpu.dma_semaphore, #tpu.memory_space<semaphore_mem>>
      %dma_start3A_972 = tpu.memref_slice %arg3[%mul3A_2] : memref<1024xf32, #tpu.memory_space<hbm>> -> memref<32xf32, #tpu.memory_space<hbm>>
      %dma_start3A_973 = tpu.memref_slice %arg3[%mul3A_2] : memref<1024xf32, #tpu.memory_space<hbm>> -> memref<32xf32, #tpu.memory_space<hbm>>
      tpu.enqueue_dma source(%dma_start3A_973 : memref<32xf32, #tpu.memory_space<hbm>>) target(%arg9 : memref<32xf32, #tpu.memory_space<vmem>>) target_semaphore(%run_scoped3A : memref<!tpu.dma_semaphore, #tpu.memory_space<semaphore_mem>>)
      %dma_wait3A_974 = tpu.memref_slice %arg3[%mul3A_2] : memref<1024xf32, #tpu.memory_space<hbm>> -> memref<32xf32, #tpu.memory_space<hbm>>
      %dma_wait3A_975 = tpu.memref_slice %arg3[%mul3A_2] : memref<1024xf32, #tpu.memory_space<hbm>> -> memref<32xf32, #tpu.memory_space<hbm>>
      tpu.wait_dma2 semaphore(%run_scoped3A : memref<!tpu.dma_semaphore, #tpu.memory_space<semaphore_mem>>) src(%dma_wait3A_975 : memref<32xf32, #tpu.memory_space<hbm>>) dst(%arg9 : memref<32xf32, #tpu.memory_space<vmem>>)
      tpu.yield
    }) : () -> ()
    %scan3A = arith.constant 0 : i32
    %scan3A_4 = arith.constant 0 : i32
    %scan3A_5 = arith.constant 1000 : i32
    %scan3A_6 = arith.addi %scan3A_4, %scan3A_5 : i32
    %scan3A_7 = arith.constant 1 : i32
    scf.for %scan3A_972 = %scan3A_4 to %scan3A_6 step %scan3A_7  : i32 {
      %broadcast_in_dim3A_973 = arith.constant 0.000000e+00 : f32
      %broadcast_in_dim3A_974 = vector.broadcast %broadcast_in_dim3A_973 : f32 to vector<16xf32>
      %mul3A_975 = arith.constant 16 : i32
      %mul3A_976 = arith.muli %scan3A_972, %mul3A_975 : i32
      %swap3A_977 = arith.index_cast %mul3A_976 : i32 to index
      %swap3A_978 = tpu.vector_load %arg6[%swap3A_977] {strides = array<i32>} : memref<16000xf32, #tpu.memory_space<vmem>>, vector<16xf32>,
      %swap3A_979 = vector.shape_cast %swap3A_978 : vector<16xf32> to vector<16xf32>
      %swap3A_980 = vector.shape_cast %broadcast_in_dim3A_974 : vector<16xf32> to vector<16xf32>
      tpu.vector_store %arg6[%swap3A_977], %swap3A_980 {strides = array<i32>} : memref<16000xf32, #tpu.memory_space<vmem>>, vector<16xf32>,
    }
    %scan3A_8 = arith.constant 1000 : i32
    %mul3A_9 = arith.constant 128000 : i32
    %mul3A_10 = arith.muli %add3A, %mul3A_9 : i32
    %add3A_11 = arith.constant 0 : i32
    %add3A_12 = arith.addi %mul3A_10, %add3A_11 : i32
    "tpu.region"() ({
      %run_scoped3A = tpu.sem_alloc : memref<!tpu.dma_semaphore, #tpu.memory_space<semaphore_mem>>
      %dma_start3A_972 = tpu.memref_slice %arg5[%add3A_12] : memref<4096000xf32, #tpu.memory_space<hbm>> -> memref<16000xf32, #tpu.memory_space<hbm>>
      %dma_start3A_973 = tpu.memref_slice %arg5[%add3A_12] : memref<4096000xf32, #tpu.memory_space<hbm>> -> memref<16000xf32, #tpu.memory_space<hbm>>
      tpu.enqueue_dma source(%arg6 : memref<16000xf32, #tpu.memory_space<vmem>>) target(%dma_start3A_973 : memref<16000xf32, #tpu.memory_space<hbm>>) target_semaphore(%run_scoped3A : memref<!tpu.dma_semaphore, #tpu.memory_space<semaphore_mem>>)
      %dma_wait3A_974 = tpu.memref_slice %arg5[%add3A_12] : memref<4096000xf32, #tpu.memory_space<hbm>> -> memref<16000xf32, #tpu.memory_space<hbm>>
      %dma_wait3A_975 = tpu.memref_slice %arg5[%add3A_12] : memref<4096000xf32, #tpu.memory_space<hbm>> -> memref<16000xf32, #tpu.memory_space<hbm>>
      tpu.wait_dma2 semaphore(%run_scoped3A : memref<!tpu.dma_semaphore, #tpu.memory_space<semaphore_mem>>) src(%arg6 : memref<16000xf32, #tpu.memory_space<vmem>>) dst(%dma_wait3A_975 : memref<16000xf32, #tpu.memory_space<hbm>>)
      tpu.yield
    }) : () -> ()
    %add3A_13 = arith.constant 16000 : i32
    %add3A_14 = arith.addi %mul3A_10, %add3A_13 : i32
    "tpu.region"() ({
      %run_scoped3A = tpu.sem_alloc : memref<!tpu.dma_semaphore, #tpu.memory_space<semaphore_mem>>
      %dma_start3A_972 = tpu.memref_slice %arg5[%add3A_14] : memref<4096000xf32, #tpu.memory_space<hbm>> -> memref<16000xf32, #tpu.memory_space<hbm>>
      %dma_start3A_973 = tpu.memref_slice %arg5[%add3A_14] : memref<4096000xf32, #tpu.memory_space<hbm>> -> memref<16000xf32, #tpu.memory_space<hbm>>
      tpu.enqueue_dma source(%arg6 : memref<16000xf32, #tpu.memory_space<vmem>>) target(%dma_start3A_973 : memref<16000xf32, #tpu.memory_space<hbm>>) target_semaphore(%run_scoped3A : memref<!tpu.dma_semaphore, #tpu.memory_space<semaphore_mem>>)
      %dma_wait3A_974 = tpu.memref_slice %arg5[%add3A_14] : memref<4096000xf32, #tpu.memory_space<hbm>> -> memref<16000xf32, #tpu.memory_space<hbm>>
      %dma_wait3A_975 = tpu.memref_slice %arg5[%add3A_14] : memref<4096000xf32, #tpu.memory_space<hbm>> -> memref<16000xf32, #tpu.memory_space<hbm>>
      tpu.wait_dma2 semaphore(%run_scoped3A : memref<!tpu.dma_semaphore, #tpu.memory_space<semaphore_mem>>) src(%arg6 : memref<16000xf32, #tpu.memory_space<vmem>>) dst(%dma_wait3A_975 : memref<16000xf32, #tpu.memory_space<hbm>>)
      tpu.yield
    }) : () -> ()
    %add3A_15 = arith.constant 32000 : i32
    %add3A_16 = arith.addi %mul3A_10, %add3A_15 : i32
    "tpu.region"() ({
      %run_scoped3A = tpu.sem_alloc : memref<!tpu.dma_semaphore, #tpu.memory_space<semaphore_mem>>
      %dma_start3A_972 = tpu.memref_slice %arg5[%add3A_16] : memref<4096000xf32, #tpu.memory_space<hbm>> -> memref<16000xf32, #tpu.memory_space<hbm>>
      %dma_start3A_973 = tpu.memref_slice %arg5[%add3A_16] : memref<4096000xf32, #tpu.memory_space<hbm>> -> memref<16000xf32, #tpu.memory_space<hbm>>
      tpu.enqueue_dma source(%arg6 : memref<16000xf32, #tpu.memory_space<vmem>>) target(%dma_start3A_973 : memref<16000xf32, #tpu.memory_space<hbm>>) target_semaphore(%run_scoped3A : memref<!tpu.dma_semaphore, #tpu.memory_space<semaphore_mem>>)
      %dma_wait3A_974 = tpu.memref_slice %arg5[%add3A_16] : memref<4096000xf32, #tpu.memory_space<hbm>> -> memref<16000xf32, #tpu.memory_space<hbm>>
      %dma_wait3A_975 = tpu.memref_slice %arg5[%add3A_16] : memref<4096000xf32, #tpu.memory_space<hbm>> -> memref<16000xf32, #tpu.memory_space<hbm>>
      tpu.wait_dma2 semaphore(%run_scoped3A : memref<!tpu.dma_semaphore, #tpu.memory_space<semaphore_mem>>) src(%arg6 : memref<16000xf32, #tpu.memory_space<vmem>>) dst(%dma_wait3A_975 : memref<16000xf32, #tpu.memory_space<hbm>>)
      tpu.yield
    }) : () -> ()
    %add3A_17 = arith.constant 48000 : i32
    %add3A_18 = arith.addi %mul3A_10, %add3A_17 : i32
    "tpu.region"() ({
      %run_scoped3A = tpu.sem_alloc : memref<!tpu.dma_semaphore, #tpu.memory_space<semaphore_mem>>
      %dma_start3A_972 = tpu.memref_slice %arg5[%add3A_18] : memref<4096000xf32, #tpu.memory_space<hbm>> -> memref<16000xf32, #tpu.memory_space<hbm>>
      %dma_start3A_973 = tpu.memref_slice %arg5[%add3A_18] : memref<4096000xf32, #tpu.memory_space<hbm>> -> memref<16000xf32, #tpu.memory_space<hbm>>
      tpu.enqueue_dma source(%arg6 : memref<16000xf32, #tpu.memory_space<vmem>>) target(%dma_start3A_973 : memref<16000xf32, #tpu.memory_space<hbm>>) target_semaphore(%run_scoped3A : memref<!tpu.dma_semaphore, #tpu.memory_space<semaphore_mem>>)
      %dma_wait3A_974 = tpu.memref_slice %arg5[%add3A_18] : memref<4096000xf32, #tpu.memory_space<hbm>> -> memref<16000xf32, #tpu.memory_space<hbm>>
      %dma_wait3A_975 = tpu.memref_slice %arg5[%add3A_18] : memref<4096000xf32, #tpu.memory_space<hbm>> -> memref<16000xf32, #tpu.memory_space<hbm>>
      tpu.wait_dma2 semaphore(%run_scoped3A : memref<!tpu.dma_semaphore, #tpu.memory_space<semaphore_mem>>) src(%arg6 : memref<16000xf32, #tpu.memory_space<vmem>>) dst(%dma_wait3A_975 : memref<16000xf32, #tpu.memory_space<hbm>>)
      tpu.yield
    }) : () -> ()
    %add3A_19 = arith.constant 64000 : i32
    %add3A_20 = arith.addi %mul3A_10, %add3A_19 : i32
    "tpu.region"() ({
      %run_scoped3A = tpu.sem_alloc : memref<!tpu.dma_semaphore, #tpu.memory_space<semaphore_mem>>
      %dma_start3A_972 = tpu.memref_slice %arg5[%add3A_20] : memref<4096000xf32, #tpu.memory_space<hbm>> -> memref<16000xf32, #tpu.memory_space<hbm>>
      %dma_start3A_973 = tpu.memref_slice %arg5[%add3A_20] : memref<4096000xf32, #tpu.memory_space<hbm>> -> memref<16000xf32, #tpu.memory_space<hbm>>
      tpu.enqueue_dma source(%arg6 : memref<16000xf32, #tpu.memory_space<vmem>>) target(%dma_start3A_973 : memref<16000xf32, #tpu.memory_space<hbm>>) target_semaphore(%run_scoped3A : memref<!tpu.dma_semaphore, #tpu.memory_space<semaphore_mem>>)
      %dma_wait3A_974 = tpu.memref_slice %arg5[%add3A_20] : memref<4096000xf32, #tpu.memory_space<hbm>> -> memref<16000xf32, #tpu.memory_space<hbm>>
      %dma_wait3A_975 = tpu.memref_slice %arg5[%add3A_20] : memref<4096000xf32, #tpu.memory_space<hbm>> -> memref<16000xf32, #tpu.memory_space<hbm>>
      tpu.wait_dma2 semaphore(%run_scoped3A : memref<!tpu.dma_semaphore, #tpu.memory_space<semaphore_mem>>) src(%arg6 : memref<16000xf32, #tpu.memory_space<vmem>>) dst(%dma_wait3A_975 : memref<16000xf32, #tpu.memory_space<hbm>>)
      tpu.yield
    }) : () -> ()
    %add3A_21 = arith.constant 80000 : i32
    %add3A_22 = arith.addi %mul3A_10, %add3A_21 : i32
    "tpu.region"() ({
      %run_scoped3A = tpu.sem_alloc : memref<!tpu.dma_semaphore, #tpu.memory_space<semaphore_mem>>
      %dma_start3A_972 = tpu.memref_slice %arg5[%add3A_22] : memref<4096000xf32, #tpu.memory_space<hbm>> -> memref<16000xf32, #tpu.memory_space<hbm>>
      %dma_start3A_973 = tpu.memref_slice %arg5[%add3A_22] : memref<4096000xf32, #tpu.memory_space<hbm>> -> memref<16000xf32, #tpu.memory_space<hbm>>
      tpu.enqueue_dma source(%arg6 : memref<16000xf32, #tpu.memory_space<vmem>>) target(%dma_start3A_973 : memref<16000xf32, #tpu.memory_space<hbm>>) target_semaphore(%run_scoped3A : memref<!tpu.dma_semaphore, #tpu.memory_space<semaphore_mem>>)
      %dma_wait3A_974 = tpu.memref_slice %arg5[%add3A_22] : memref<4096000xf32, #tpu.memory_space<hbm>> -> memref<16000xf32, #tpu.memory_space<hbm>>
      %dma_wait3A_975 = tpu.memref_slice %arg5[%add3A_22] : memref<4096000xf32, #tpu.memory_space<hbm>> -> memref<16000xf32, #tpu.memory_space<hbm>>
      tpu.wait_dma2 semaphore(%run_scoped3A : memref<!tpu.dma_semaphore, #tpu.memory_space<semaphore_mem>>) src(%arg6 : memref<16000xf32, #tpu.memory_space<vmem>>) dst(%dma_wait3A_975 : memref<16000xf32, #tpu.memory_space<hbm>>)
      tpu.yield
    }) : () -> ()
    %add3A_23 = arith.constant 96000 : i32
    %add3A_24 = arith.addi %mul3A_10, %add3A_23 : i32
    "tpu.region"() ({
      %run_scoped3A = tpu.sem_alloc : memref<!tpu.dma_semaphore, #tpu.memory_space<semaphore_mem>>
      %dma_start3A_972 = tpu.memref_slice %arg5[%add3A_24] : memref<4096000xf32, #tpu.memory_space<hbm>> -> memref<16000xf32, #tpu.memory_space<hbm>>
      %dma_start3A_973 = tpu.memref_slice %arg5[%add3A_24] : memref<4096000xf32, #tpu.memory_space<hbm>> -> memref<16000xf32, #tpu.memory_space<hbm>>
      tpu.enqueue_dma source(%arg6 : memref<16000xf32, #tpu.memory_space<vmem>>) target(%dma_start3A_973 : memref<16000xf32, #tpu.memory_space<hbm>>) target_semaphore(%run_scoped3A : memref<!tpu.dma_semaphore, #tpu.memory_space<semaphore_mem>>)
      %dma_wait3A_974 = tpu.memref_slice %arg5[%add3A_24] : memref<4096000xf32, #tpu.memory_space<hbm>> -> memref<16000xf32, #tpu.memory_space<hbm>>
      %dma_wait3A_975 = tpu.memref_slice %arg5[%add3A_24] : memref<4096000xf32, #tpu.memory_space<hbm>> -> memref<16000xf32, #tpu.memory_space<hbm>>
      tpu.wait_dma2 semaphore(%run_scoped3A : memref<!tpu.dma_semaphore, #tpu.memory_space<semaphore_mem>>) src(%arg6 : memref<16000xf32, #tpu.memory_space<vmem>>) dst(%dma_wait3A_975 : memref<16000xf32, #tpu.memory_space<hbm>>)
      tpu.yield
    }) : () -> ()
    %add3A_25 = arith.constant 112000 : i32
    %add3A_26 = arith.addi %mul3A_10, %add3A_25 : i32
    "tpu.region"() ({
      %run_scoped3A = tpu.sem_alloc : memref<!tpu.dma_semaphore, #tpu.memory_space<semaphore_mem>>
      %dma_start3A_972 = tpu.memref_slice %arg5[%add3A_26] : memref<4096000xf32, #tpu.memory_space<hbm>> -> memref<16000xf32, #tpu.memory_space<hbm>>
      %dma_start3A_973 = tpu.memref_slice %arg5[%add3A_26] : memref<4096000xf32, #tpu.memory_space<hbm>> -> memref<16000xf32, #tpu.memory_space<hbm>>
      tpu.enqueue_dma source(%arg6 : memref<16000xf32, #tpu.memory_space<vmem>>) target(%dma_start3A_973 : memref<16000xf32, #tpu.memory_space<hbm>>) target_semaphore(%run_scoped3A : memref<!tpu.dma_semaphore, #tpu.memory_space<semaphore_mem>>)
      %dma_wait3A_974 = tpu.memref_slice %arg5[%add3A_26] : memref<4096000xf32, #tpu.memory_space<hbm>> -> memref<16000xf32, #tpu.memory_space<hbm>>
      %dma_wait3A_975 = tpu.memref_slice %arg5[%add3A_26] : memref<4096000xf32, #tpu.memory_space<hbm>> -> memref<16000xf32, #tpu.memory_space<hbm>>
      tpu.wait_dma2 semaphore(%run_scoped3A : memref<!tpu.dma_semaphore, #tpu.memory_space<semaphore_mem>>) src(%arg6 : memref<16000xf32, #tpu.memory_space<vmem>>) dst(%dma_wait3A_975 : memref<16000xf32, #tpu.memory_space<hbm>>)
      tpu.yield
    }) : () -> ()
    %dma_wait3A = arith.constant 0 : i32
    %dma_wait3A_27 = tpu.memref_slice %arg4[%dma_wait3A] : memref<100000xi32, #tpu.memory_space<hbm>> -> memref<100000xi32, #tpu.memory_space<hbm>>
    tpu.wait_indirect_dma semaphore(%arg12 : memref<!tpu.dma_semaphore, #tpu.memory_space<semaphore_mem>>) src(%dma_wait3A_27 : memref<100000xi32, #tpu.memory_space<hbm>>) dst(%arg8 : memref<32xi32, #tpu.memory_space<vmem>>)
    %get3A = arith.constant 0 : index
    %get3A_28 = tpu.vector_load %arg9[%get3A] {strides = array<i32>} : memref<32xf32, #tpu.memory_space<vmem>>, vector<16xf32>,
    %get3A_29 = vector.shape_cast %get3A_28 : vector<16xf32> to vector<16xf32>
    %iota3A = tpu.iota {dimensions = array<i32: 0>} : vector<16xi32>
    %xor3A = arith.constant 1 : i32
    %xor3A_30 = vector.broadcast %xor3A : i32 to vector<16xi32>
    %xor3A_31 = arith.xori %iota3A, %xor3A_30 : vector<16xi32>
    %lt3A = arith.constant 0 : i32
    %lt3A_32 = vector.broadcast %lt3A : i32 to vector<16xi32>
    %lt3A_33 = arith.cmpi slt, %xor3A_31, %lt3A_32 : vector<16xi32>
    %add3A_34 = arith.constant 16 : i32
    %add3A_35 = vector.broadcast %add3A_34 : i32 to vector<16xi32>
    %add3A_36 = arith.addi %xor3A_31, %add3A_35 : vector<16xi32>
    %select_n3A = arith.select %lt3A_33, %add3A_36, %xor3A_31 : vector<16xi1>, vector<16xi32>
    %broadcast_in_dim3A = vector.shape_cast %select_n3A : vector<16xi32> to vector<16x1xi32>
    %gather3A = vector.shape_cast %broadcast_in_dim3A : vector<16x1xi32> to vector<16xi32>
    %gather3A_37 = tpu.dynamic_gather %get3A_29[%gather3A] in [0] : vector<16xf32>, vector<16xi32> -> vector<16xf32>
    %min3A = arith.minimumf %get3A_29, %gather3A_37 : vector<16xf32>
    %iota3A_38 = tpu.iota {dimensions = array<i32: 0>} : vector<16xi32>
    %xor3A_39 = arith.constant 2 : i32
    %xor3A_40 = vector.broadcast %xor3A_39 : i32 to vector<16xi32>
    %xor3A_41 = arith.xori %iota3A_38, %xor3A_40 : vector<16xi32>
    %lt3A_42 = arith.constant 0 : i32
    %lt3A_43 = vector.broadcast %lt3A_42 : i32 to vector<16xi32>
    %lt3A_44 = arith.cmpi slt, %xor3A_41, %lt3A_43 : vector<16xi32>
    %add3A_45 = arith.constant 16 : i32
    %add3A_46 = vector.broadcast %add3A_45 : i32 to vector<16xi32>
    %add3A_47 = arith.addi %xor3A_41, %add3A_46 : vector<16xi32>
    %select_n3A_48 = arith.select %lt3A_44, %add3A_47, %xor3A_41 : vector<16xi1>, vector<16xi32>
    %broadcast_in_dim3A_49 = vector.shape_cast %select_n3A_48 : vector<16xi32> to vector<16x1xi32>
    %gather3A_50 = vector.shape_cast %broadcast_in_dim3A_49 : vector<16x1xi32> to vector<16xi32>
    %gather3A_51 = tpu.dynamic_gather %min3A[%gather3A_50] in [0] : vector<16xf32>, vector<16xi32> -> vector<16xf32>
    %min3A_52 = arith.minimumf %min3A, %gather3A_51 : vector<16xf32>
    %iota3A_53 = tpu.iota {dimensions = array<i32: 0>} : vector<16xi32>
    %xor3A_54 = arith.constant 4 : i32
    %xor3A_55 = vector.broadcast %xor3A_54 : i32 to vector<16xi32>
    %xor3A_56 = arith.xori %iota3A_53, %xor3A_55 : vector<16xi32>
    %lt3A_57 = arith.constant 0 : i32
    %lt3A_58 = vector.broadcast %lt3A_57 : i32 to vector<16xi32>
    %lt3A_59 = arith.cmpi slt, %xor3A_56, %lt3A_58 : vector<16xi32>
    %add3A_60 = arith.constant 16 : i32
    %add3A_61 = vector.broadcast %add3A_60 : i32 to vector<16xi32>
    %add3A_62 = arith.addi %xor3A_56, %add3A_61 : vector<16xi32>
    %select_n3A_63 = arith.select %lt3A_59, %add3A_62, %xor3A_56 : vector<16xi1>, vector<16xi32>
    %broadcast_in_dim3A_64 = vector.shape_cast %select_n3A_63 : vector<16xi32> to vector<16x1xi32>
    %gather3A_65 = vector.shape_cast %broadcast_in_dim3A_64 : vector<16x1xi32> to vector<16xi32>
    %gather3A_66 = tpu.dynamic_gather %min3A_52[%gather3A_65] in [0] : vector<16xf32>, vector<16xi32> -> vector<16xf32>
    %min3A_67 = arith.minimumf %min3A_52, %gather3A_66 : vector<16xf32>
    %sub3A = arith.subf %min3A_67, %get3A_29 : vector<16xf32>
    %mul3A_68 = arith.constant 1.000000e-01 : f32
    %mul3A_69 = vector.broadcast %mul3A_68 : f32 to vector<16xf32>
    %mul3A_70 = arith.mulf %sub3A, %mul3A_69 : vector<16xf32>
    %exp3A = math.exp %mul3A_70 : vector<16xf32>
    %iota3A_71 = tpu.iota {dimensions = array<i32: 0>} : vector<16xi32>
    %xor3A_72 = arith.constant 1 : i32
    %xor3A_73 = vector.broadcast %xor3A_72 : i32 to vector<16xi32>
    %xor3A_74 = arith.xori %iota3A_71, %xor3A_73 : vector<16xi32>
    %lt3A_75 = arith.constant 0 : i32
    %lt3A_76 = vector.broadcast %lt3A_75 : i32 to vector<16xi32>
    %lt3A_77 = arith.cmpi slt, %xor3A_74, %lt3A_76 : vector<16xi32>
    %add3A_78 = arith.constant 16 : i32
    %add3A_79 = vector.broadcast %add3A_78 : i32 to vector<16xi32>
    %add3A_80 = arith.addi %xor3A_74, %add3A_79 : vector<16xi32>
    %select_n3A_81 = arith.select %lt3A_77, %add3A_80, %xor3A_74 : vector<16xi1>, vector<16xi32>
    %broadcast_in_dim3A_82 = vector.shape_cast %select_n3A_81 : vector<16xi32> to vector<16x1xi32>
    %gather3A_83 = vector.shape_cast %broadcast_in_dim3A_82 : vector<16x1xi32> to vector<16xi32>
    %gather3A_84 = tpu.dynamic_gather %exp3A[%gather3A_83] in [0] : vector<16xf32>, vector<16xi32> -> vector<16xf32>
    %add3A_85 = arith.addf %exp3A, %gather3A_84 : vector<16xf32>
    %iota3A_86 = tpu.iota {dimensions = array<i32: 0>} : vector<16xi32>
    %xor3A_87 = arith.constant 2 : i32
    %xor3A_88 = vector.broadcast %xor3A_87 : i32 to vector<16xi32>
    %xor3A_89 = arith.xori %iota3A_86, %xor3A_88 : vector<16xi32>
    %lt3A_90 = arith.constant 0 : i32
    %lt3A_91 = vector.broadcast %lt3A_90 : i32 to vector<16xi32>
    %lt3A_92 = arith.cmpi slt, %xor3A_89, %lt3A_91 : vector<16xi32>
    %add3A_93 = arith.constant 16 : i32
    %add3A_94 = vector.broadcast %add3A_93 : i32 to vector<16xi32>
    %add3A_95 = arith.addi %xor3A_89, %add3A_94 : vector<16xi32>
    %select_n3A_96 = arith.select %lt3A_92, %add3A_95, %xor3A_89 : vector<16xi1>, vector<16xi32>
    %broadcast_in_dim3A_97 = vector.shape_cast %select_n3A_96 : vector<16xi32> to vector<16x1xi32>
    %gather3A_98 = vector.shape_cast %broadcast_in_dim3A_97 : vector<16x1xi32> to vector<16xi32>
    %gather3A_99 = tpu.dynamic_gather %add3A_85[%gather3A_98] in [0] : vector<16xf32>, vector<16xi32> -> vector<16xf32>
    %add3A_100 = arith.addf %add3A_85, %gather3A_99 : vector<16xf32>
    %iota3A_101 = tpu.iota {dimensions = array<i32: 0>} : vector<16xi32>
    %xor3A_102 = arith.constant 4 : i32
    %xor3A_103 = vector.broadcast %xor3A_102 : i32 to vector<16xi32>
    %xor3A_104 = arith.xori %iota3A_101, %xor3A_103 : vector<16xi32>
    %lt3A_105 = arith.constant 0 : i32
    %lt3A_106 = vector.broadcast %lt3A_105 : i32 to vector<16xi32>
    %lt3A_107 = arith.cmpi slt, %xor3A_104, %lt3A_106 : vector<16xi32>
    %add3A_108 = arith.constant 16 : i32
    %add3A_109 = vector.broadcast %add3A_108 : i32 to vector<16xi32>
    %add3A_110 = arith.addi %xor3A_104, %add3A_109 : vector<16xi32>
    %select_n3A_111 = arith.select %lt3A_107, %add3A_110, %xor3A_104 : vector<16xi1>, vector<16xi32>
    %broadcast_in_dim3A_112 = vector.shape_cast %select_n3A_111 : vector<16xi32> to vector<16x1xi32>
    %gather3A_113 = vector.shape_cast %broadcast_in_dim3A_112 : vector<16x1xi32> to vector<16xi32>
    %gather3A_114 = tpu.dynamic_gather %add3A_100[%gather3A_113] in [0] : vector<16xf32>, vector<16xi32> -> vector<16xf32>
    %add3A_115 = arith.addf %add3A_100, %gather3A_114 : vector<16xf32>
    %div3A = arith.divf %exp3A, %add3A_115 : vector<16xf32>
    %get3A_116 = arith.constant 0 : index
    %get3A_117 = tpu.vector_load %arg8[%get3A_116] {strides = array<i32>} : memref<32xi32, #tpu.memory_space<vmem>>, vector<16xi32>,
    %get3A_118 = vector.shape_cast %get3A_117 : vector<16xi32> to vector<16xi32>
    %iota3A_119 = tpu.iota {dimensions = array<i32: 0>} : vector<16xi32>
    %not3A = arith.constant 7 : i32
    %not3A_120 = arith.constant -1 : i32
    %not3A_121 = arith.xori %not3A, %not3A_120 : i32
    %and3A = vector.broadcast %not3A_121 : i32 to vector<16xi32>
    %and3A_122 = arith.andi %iota3A_119, %and3A : vector<16xi32>
    %add3A_123 = arith.constant 1 : i32
    %add3A_124 = vector.broadcast %add3A_123 : i32 to vector<16xi32>
    %add3A_125 = arith.addi %iota3A_119, %add3A_124 : vector<16xi32>
    %and3A_126 = arith.constant 7 : i32
    %and3A_127 = vector.broadcast %and3A_126 : i32 to vector<16xi32>
    %and3A_128 = arith.andi %add3A_125, %and3A_127 : vector<16xi32>
    %or3A = arith.ori %and3A_122, %and3A_128 : vector<16xi32>
    %lt3A_129 = arith.constant 0 : i32
    %lt3A_130 = vector.broadcast %lt3A_129 : i32 to vector<16xi32>
    %lt3A_131 = arith.cmpi slt, %or3A, %lt3A_130 : vector<16xi32>
    %add3A_132 = arith.constant 16 : i32
    %add3A_133 = vector.broadcast %add3A_132 : i32 to vector<16xi32>
    %add3A_134 = arith.addi %or3A, %add3A_133 : vector<16xi32>
    %select_n3A_135 = arith.select %lt3A_131, %add3A_134, %or3A : vector<16xi1>, vector<16xi32>
    %broadcast_in_dim3A_136 = vector.shape_cast %select_n3A_135 : vector<16xi32> to vector<16x1xi32>
    %gather3A_137 = vector.shape_cast %broadcast_in_dim3A_136 : vector<16x1xi32> to vector<16xi32>
    %gather3A_138 = tpu.dynamic_gather %get3A_118[%gather3A_137] in [0] : vector<16xi32>, vector<16xi32> -> vector<16xi32>
    %eq3A = arith.cmpi eq, %gather3A_138, %get3A_118 : vector<16xi32>
    %iota3A_139 = tpu.iota {dimensions = array<i32: 0>} : vector<16xi32>
    %not3A_140 = arith.constant 7 : i32
    %not3A_141 = arith.constant -1 : i32
    %not3A_142 = arith.xori %not3A_140, %not3A_141 : i32
    %and3A_143 = vector.broadcast %not3A_142 : i32 to vector<16xi32>
    %and3A_144 = arith.andi %iota3A_139, %and3A_143 : vector<16xi32>
    %add3A_145 = arith.constant 1 : i32
    %add3A_146 = vector.broadcast %add3A_145 : i32 to vector<16xi32>
    %add3A_147 = arith.addi %iota3A_139, %add3A_146 : vector<16xi32>
    %and3A_148 = arith.constant 7 : i32
    %and3A_149 = vector.broadcast %and3A_148 : i32 to vector<16xi32>
    %and3A_150 = arith.andi %add3A_147, %and3A_149 : vector<16xi32>
    %or3A_151 = arith.ori %and3A_144, %and3A_150 : vector<16xi32>
    %lt3A_152 = arith.constant 0 : i32
    %lt3A_153 = vector.broadcast %lt3A_152 : i32 to vector<16xi32>
    %lt3A_154 = arith.cmpi slt, %or3A_151, %lt3A_153 : vector<16xi32>
    %add3A_155 = arith.constant 16 : i32
    %add3A_156 = vector.broadcast %add3A_155 : i32 to vector<16xi32>
    %add3A_157 = arith.addi %or3A_151, %add3A_156 : vector<16xi32>
    %select_n3A_158 = arith.select %lt3A_154, %add3A_157, %or3A_151 : vector<16xi1>, vector<16xi32>
    %broadcast_in_dim3A_159 = vector.shape_cast %select_n3A_158 : vector<16xi32> to vector<16x1xi32>
    %gather3A_160 = vector.shape_cast %broadcast_in_dim3A_159 : vector<16x1xi32> to vector<16xi32>
    %gather3A_161 = tpu.dynamic_gather %div3A[%gather3A_160] in [0] : vector<16xf32>, vector<16xi32> -> vector<16xf32>
    %jit3A = arith.constant 0.000000e+00 : f32
    %broadcast_in_dim3A_162 = vector.broadcast %jit3A : f32 to vector<16xf32>
    %select_n3A_163 = arith.select %eq3A, %gather3A_161, %broadcast_in_dim3A_162 : vector<16xi1>, vector<16xf32>
    %add3A_164 = arith.addf %div3A, %select_n3A_163 : vector<16xf32>
    %iota3A_165 = tpu.iota {dimensions = array<i32: 0>} : vector<16xi32>
    %not3A_166 = arith.constant 7 : i32
    %not3A_167 = arith.constant -1 : i32
    %not3A_168 = arith.xori %not3A_166, %not3A_167 : i32
    %and3A_169 = vector.broadcast %not3A_168 : i32 to vector<16xi32>
    %and3A_170 = arith.andi %iota3A_165, %and3A_169 : vector<16xi32>
    %add3A_171 = arith.constant 2 : i32
    %add3A_172 = vector.broadcast %add3A_171 : i32 to vector<16xi32>
    %add3A_173 = arith.addi %iota3A_165, %add3A_172 : vector<16xi32>
    %and3A_174 = arith.constant 7 : i32
    %and3A_175 = vector.broadcast %and3A_174 : i32 to vector<16xi32>
    %and3A_176 = arith.andi %add3A_173, %and3A_175 : vector<16xi32>
    %or3A_177 = arith.ori %and3A_170, %and3A_176 : vector<16xi32>
    %lt3A_178 = arith.constant 0 : i32
    %lt3A_179 = vector.broadcast %lt3A_178 : i32 to vector<16xi32>
    %lt3A_180 = arith.cmpi slt, %or3A_177, %lt3A_179 : vector<16xi32>
    %add3A_181 = arith.constant 16 : i32
    %add3A_182 = vector.broadcast %add3A_181 : i32 to vector<16xi32>
    %add3A_183 = arith.addi %or3A_177, %add3A_182 : vector<16xi32>
    %select_n3A_184 = arith.select %lt3A_180, %add3A_183, %or3A_177 : vector<16xi1>, vector<16xi32>
    %broadcast_in_dim3A_185 = vector.shape_cast %select_n3A_184 : vector<16xi32> to vector<16x1xi32>
    %gather3A_186 = vector.shape_cast %broadcast_in_dim3A_185 : vector<16x1xi32> to vector<16xi32>
    %gather3A_187 = tpu.dynamic_gather %get3A_118[%gather3A_186] in [0] : vector<16xi32>, vector<16xi32> -> vector<16xi32>
    %eq3A_188 = arith.cmpi eq, %gather3A_187, %get3A_118 : vector<16xi32>
    %iota3A_189 = tpu.iota {dimensions = array<i32: 0>} : vector<16xi32>
    %not3A_190 = arith.constant 7 : i32
    %not3A_191 = arith.constant -1 : i32
    %not3A_192 = arith.xori %not3A_190, %not3A_191 : i32
    %and3A_193 = vector.broadcast %not3A_192 : i32 to vector<16xi32>
    %and3A_194 = arith.andi %iota3A_189, %and3A_193 : vector<16xi32>
    %add3A_195 = arith.constant 2 : i32
    %add3A_196 = vector.broadcast %add3A_195 : i32 to vector<16xi32>
    %add3A_197 = arith.addi %iota3A_189, %add3A_196 : vector<16xi32>
    %and3A_198 = arith.constant 7 : i32
    %and3A_199 = vector.broadcast %and3A_198 : i32 to vector<16xi32>
    %and3A_200 = arith.andi %add3A_197, %and3A_199 : vector<16xi32>
    %or3A_201 = arith.ori %and3A_194, %and3A_200 : vector<16xi32>
    %lt3A_202 = arith.constant 0 : i32
    %lt3A_203 = vector.broadcast %lt3A_202 : i32 to vector<16xi32>
    %lt3A_204 = arith.cmpi slt, %or3A_201, %lt3A_203 : vector<16xi32>
    %add3A_205 = arith.constant 16 : i32
    %add3A_206 = vector.broadcast %add3A_205 : i32 to vector<16xi32>
    %add3A_207 = arith.addi %or3A_201, %add3A_206 : vector<16xi32>
    %select_n3A_208 = arith.select %lt3A_204, %add3A_207, %or3A_201 : vector<16xi1>, vector<16xi32>
    %broadcast_in_dim3A_209 = vector.shape_cast %select_n3A_208 : vector<16xi32> to vector<16x1xi32>
    %gather3A_210 = vector.shape_cast %broadcast_in_dim3A_209 : vector<16x1xi32> to vector<16xi32>
    %gather3A_211 = tpu.dynamic_gather %div3A[%gather3A_210] in [0] : vector<16xf32>, vector<16xi32> -> vector<16xf32>
    %jit3A_212 = arith.constant 0.000000e+00 : f32
    %broadcast_in_dim3A_213 = vector.broadcast %jit3A_212 : f32 to vector<16xf32>
    %select_n3A_214 = arith.select %eq3A_188, %gather3A_211, %broadcast_in_dim3A_213 : vector<16xi1>, vector<16xf32>
    %add3A_215 = arith.addf %add3A_164, %select_n3A_214 : vector<16xf32>
    %iota3A_216 = tpu.iota {dimensions = array<i32: 0>} : vector<16xi32>
    %not3A_217 = arith.constant 7 : i32
    %not3A_218 = arith.constant -1 : i32
    %not3A_219 = arith.xori %not3A_217, %not3A_218 : i32
    %and3A_220 = vector.broadcast %not3A_219 : i32 to vector<16xi32>
    %and3A_221 = arith.andi %iota3A_216, %and3A_220 : vector<16xi32>
    %add3A_222 = arith.constant 3 : i32
    %add3A_223 = vector.broadcast %add3A_222 : i32 to vector<16xi32>
    %add3A_224 = arith.addi %iota3A_216, %add3A_223 : vector<16xi32>
    %and3A_225 = arith.constant 7 : i32
    %and3A_226 = vector.broadcast %and3A_225 : i32 to vector<16xi32>
    %and3A_227 = arith.andi %add3A_224, %and3A_226 : vector<16xi32>
    %or3A_228 = arith.ori %and3A_221, %and3A_227 : vector<16xi32>
    %lt3A_229 = arith.constant 0 : i32
    %lt3A_230 = vector.broadcast %lt3A_229 : i32 to vector<16xi32>
    %lt3A_231 = arith.cmpi slt, %or3A_228, %lt3A_230 : vector<16xi32>
    %add3A_232 = arith.constant 16 : i32
    %add3A_233 = vector.broadcast %add3A_232 : i32 to vector<16xi32>
    %add3A_234 = arith.addi %or3A_228, %add3A_233 : vector<16xi32>
    %select_n3A_235 = arith.select %lt3A_231, %add3A_234, %or3A_228 : vector<16xi1>, vector<16xi32>
    %broadcast_in_dim3A_236 = vector.shape_cast %select_n3A_235 : vector<16xi32> to vector<16x1xi32>
    %gather3A_237 = vector.shape_cast %broadcast_in_dim3A_236 : vector<16x1xi32> to vector<16xi32>
    %gather3A_238 = tpu.dynamic_gather %get3A_118[%gather3A_237] in [0] : vector<16xi32>, vector<16xi32> -> vector<16xi32>
    %eq3A_239 = arith.cmpi eq, %gather3A_238, %get3A_118 : vector<16xi32>
    %iota3A_240 = tpu.iota {dimensions = array<i32: 0>} : vector<16xi32>
    %not3A_241 = arith.constant 7 : i32
    %not3A_242 = arith.constant -1 : i32
    %not3A_243 = arith.xori %not3A_241, %not3A_242 : i32
    %and3A_244 = vector.broadcast %not3A_243 : i32 to vector<16xi32>
    %and3A_245 = arith.andi %iota3A_240, %and3A_244 : vector<16xi32>
    %add3A_246 = arith.constant 3 : i32
    %add3A_247 = vector.broadcast %add3A_246 : i32 to vector<16xi32>
    %add3A_248 = arith.addi %iota3A_240, %add3A_247 : vector<16xi32>
    %and3A_249 = arith.constant 7 : i32
    %and3A_250 = vector.broadcast %and3A_249 : i32 to vector<16xi32>
    %and3A_251 = arith.andi %add3A_248, %and3A_250 : vector<16xi32>
    %or3A_252 = arith.ori %and3A_245, %and3A_251 : vector<16xi32>
    %lt3A_253 = arith.constant 0 : i32
    %lt3A_254 = vector.broadcast %lt3A_253 : i32 to vector<16xi32>
    %lt3A_255 = arith.cmpi slt, %or3A_252, %lt3A_254 : vector<16xi32>
    %add3A_256 = arith.constant 16 : i32
    %add3A_257 = vector.broadcast %add3A_256 : i32 to vector<16xi32>
    %add3A_258 = arith.addi %or3A_252, %add3A_257 : vector<16xi32>
    %select_n3A_259 = arith.select %lt3A_255, %add3A_258, %or3A_252 : vector<16xi1>, vector<16xi32>
    %broadcast_in_dim3A_260 = vector.shape_cast %select_n3A_259 : vector<16xi32> to vector<16x1xi32>
    %gather3A_261 = vector.shape_cast %broadcast_in_dim3A_260 : vector<16x1xi32> to vector<16xi32>
    %gather3A_262 = tpu.dynamic_gather %div3A[%gather3A_261] in [0] : vector<16xf32>, vector<16xi32> -> vector<16xf32>
    %jit3A_263 = arith.constant 0.000000e+00 : f32
    %broadcast_in_dim3A_264 = vector.broadcast %jit3A_263 : f32 to vector<16xf32>
    %select_n3A_265 = arith.select %eq3A_239, %gather3A_262, %broadcast_in_dim3A_264 : vector<16xi1>, vector<16xf32>
    %add3A_266 = arith.addf %add3A_215, %select_n3A_265 : vector<16xf32>
    %iota3A_267 = tpu.iota {dimensions = array<i32: 0>} : vector<16xi32>
    %not3A_268 = arith.constant 7 : i32
    %not3A_269 = arith.constant -1 : i32
    %not3A_270 = arith.xori %not3A_268, %not3A_269 : i32
    %and3A_271 = vector.broadcast %not3A_270 : i32 to vector<16xi32>
    %and3A_272 = arith.andi %iota3A_267, %and3A_271 : vector<16xi32>
    %add3A_273 = arith.constant 4 : i32
    %add3A_274 = vector.broadcast %add3A_273 : i32 to vector<16xi32>
    %add3A_275 = arith.addi %iota3A_267, %add3A_274 : vector<16xi32>
    %and3A_276 = arith.constant 7 : i32
    %and3A_277 = vector.broadcast %and3A_276 : i32 to vector<16xi32>
    %and3A_278 = arith.andi %add3A_275, %and3A_277 : vector<16xi32>
    %or3A_279 = arith.ori %and3A_272, %and3A_278 : vector<16xi32>
    %lt3A_280 = arith.constant 0 : i32
    %lt3A_281 = vector.broadcast %lt3A_280 : i32 to vector<16xi32>
    %lt3A_282 = arith.cmpi slt, %or3A_279, %lt3A_281 : vector<16xi32>
    %add3A_283 = arith.constant 16 : i32
    %add3A_284 = vector.broadcast %add3A_283 : i32 to vector<16xi32>
    %add3A_285 = arith.addi %or3A_279, %add3A_284 : vector<16xi32>
    %select_n3A_286 = arith.select %lt3A_282, %add3A_285, %or3A_279 : vector<16xi1>, vector<16xi32>
    %broadcast_in_dim3A_287 = vector.shape_cast %select_n3A_286 : vector<16xi32> to vector<16x1xi32>
    %gather3A_288 = vector.shape_cast %broadcast_in_dim3A_287 : vector<16x1xi32> to vector<16xi32>
    %gather3A_289 = tpu.dynamic_gather %get3A_118[%gather3A_288] in [0] : vector<16xi32>, vector<16xi32> -> vector<16xi32>
    %eq3A_290 = arith.cmpi eq, %gather3A_289, %get3A_118 : vector<16xi32>
    %iota3A_291 = tpu.iota {dimensions = array<i32: 0>} : vector<16xi32>
    %not3A_292 = arith.constant 7 : i32
    %not3A_293 = arith.constant -1 : i32
    %not3A_294 = arith.xori %not3A_292, %not3A_293 : i32
    %and3A_295 = vector.broadcast %not3A_294 : i32 to vector<16xi32>
    %and3A_296 = arith.andi %iota3A_291, %and3A_295 : vector<16xi32>
    %add3A_297 = arith.constant 4 : i32
    %add3A_298 = vector.broadcast %add3A_297 : i32 to vector<16xi32>
    %add3A_299 = arith.addi %iota3A_291, %add3A_298 : vector<16xi32>
    %and3A_300 = arith.constant 7 : i32
    %and3A_301 = vector.broadcast %and3A_300 : i32 to vector<16xi32>
    %and3A_302 = arith.andi %add3A_299, %and3A_301 : vector<16xi32>
    %or3A_303 = arith.ori %and3A_296, %and3A_302 : vector<16xi32>
    %lt3A_304 = arith.constant 0 : i32
    %lt3A_305 = vector.broadcast %lt3A_304 : i32 to vector<16xi32>
    %lt3A_306 = arith.cmpi slt, %or3A_303, %lt3A_305 : vector<16xi32>
    %add3A_307 = arith.constant 16 : i32
    %add3A_308 = vector.broadcast %add3A_307 : i32 to vector<16xi32>
    %add3A_309 = arith.addi %or3A_303, %add3A_308 : vector<16xi32>
    %select_n3A_310 = arith.select %lt3A_306, %add3A_309, %or3A_303 : vector<16xi1>, vector<16xi32>
    %broadcast_in_dim3A_311 = vector.shape_cast %select_n3A_310 : vector<16xi32> to vector<16x1xi32>
    %gather3A_312 = vector.shape_cast %broadcast_in_dim3A_311 : vector<16x1xi32> to vector<16xi32>
    %gather3A_313 = tpu.dynamic_gather %div3A[%gather3A_312] in [0] : vector<16xf32>, vector<16xi32> -> vector<16xf32>
    %jit3A_314 = arith.constant 0.000000e+00 : f32
    %broadcast_in_dim3A_315 = vector.broadcast %jit3A_314 : f32 to vector<16xf32>
    %select_n3A_316 = arith.select %eq3A_290, %gather3A_313, %broadcast_in_dim3A_315 : vector<16xi1>, vector<16xf32>
    %add3A_317 = arith.addf %add3A_266, %select_n3A_316 : vector<16xf32>
    %iota3A_318 = tpu.iota {dimensions = array<i32: 0>} : vector<16xi32>
    %not3A_319 = arith.constant 7 : i32
    %not3A_320 = arith.constant -1 : i32
    %not3A_321 = arith.xori %not3A_319, %not3A_320 : i32
    %and3A_322 = vector.broadcast %not3A_321 : i32 to vector<16xi32>
    %and3A_323 = arith.andi %iota3A_318, %and3A_322 : vector<16xi32>
    %add3A_324 = arith.constant 5 : i32
    %add3A_325 = vector.broadcast %add3A_324 : i32 to vector<16xi32>
    %add3A_326 = arith.addi %iota3A_318, %add3A_325 : vector<16xi32>
    %and3A_327 = arith.constant 7 : i32
    %and3A_328 = vector.broadcast %and3A_327 : i32 to vector<16xi32>
    %and3A_329 = arith.andi %add3A_326, %and3A_328 : vector<16xi32>
    %or3A_330 = arith.ori %and3A_323, %and3A_329 : vector<16xi32>
    %lt3A_331 = arith.constant 0 : i32
    %lt3A_332 = vector.broadcast %lt3A_331 : i32 to vector<16xi32>
    %lt3A_333 = arith.cmpi slt, %or3A_330, %lt3A_332 : vector<16xi32>
    %add3A_334 = arith.constant 16 : i32
    %add3A_335 = vector.broadcast %add3A_334 : i32 to vector<16xi32>
    %add3A_336 = arith.addi %or3A_330, %add3A_335 : vector<16xi32>
    %select_n3A_337 = arith.select %lt3A_333, %add3A_336, %or3A_330 : vector<16xi1>, vector<16xi32>
    %broadcast_in_dim3A_338 = vector.shape_cast %select_n3A_337 : vector<16xi32> to vector<16x1xi32>
    %gather3A_339 = vector.shape_cast %broadcast_in_dim3A_338 : vector<16x1xi32> to vector<16xi32>
    %gather3A_340 = tpu.dynamic_gather %get3A_118[%gather3A_339] in [0] : vector<16xi32>, vector<16xi32> -> vector<16xi32>
    %eq3A_341 = arith.cmpi eq, %gather3A_340, %get3A_118 : vector<16xi32>
    %iota3A_342 = tpu.iota {dimensions = array<i32: 0>} : vector<16xi32>
    %not3A_343 = arith.constant 7 : i32
    %not3A_344 = arith.constant -1 : i32
    %not3A_345 = arith.xori %not3A_343, %not3A_344 : i32
    %and3A_346 = vector.broadcast %not3A_345 : i32 to vector<16xi32>
    %and3A_347 = arith.andi %iota3A_342, %and3A_346 : vector<16xi32>
    %add3A_348 = arith.constant 5 : i32
    %add3A_349 = vector.broadcast %add3A_348 : i32 to vector<16xi32>
    %add3A_350 = arith.addi %iota3A_342, %add3A_349 : vector<16xi32>
    %and3A_351 = arith.constant 7 : i32
    %and3A_352 = vector.broadcast %and3A_351 : i32 to vector<16xi32>
    %and3A_353 = arith.andi %add3A_350, %and3A_352 : vector<16xi32>
    %or3A_354 = arith.ori %and3A_347, %and3A_353 : vector<16xi32>
    %lt3A_355 = arith.constant 0 : i32
    %lt3A_356 = vector.broadcast %lt3A_355 : i32 to vector<16xi32>
    %lt3A_357 = arith.cmpi slt, %or3A_354, %lt3A_356 : vector<16xi32>
    %add3A_358 = arith.constant 16 : i32
    %add3A_359 = vector.broadcast %add3A_358 : i32 to vector<16xi32>
    %add3A_360 = arith.addi %or3A_354, %add3A_359 : vector<16xi32>
    %select_n3A_361 = arith.select %lt3A_357, %add3A_360, %or3A_354 : vector<16xi1>, vector<16xi32>
    %broadcast_in_dim3A_362 = vector.shape_cast %select_n3A_361 : vector<16xi32> to vector<16x1xi32>
    %gather3A_363 = vector.shape_cast %broadcast_in_dim3A_362 : vector<16x1xi32> to vector<16xi32>
    %gather3A_364 = tpu.dynamic_gather %div3A[%gather3A_363] in [0] : vector<16xf32>, vector<16xi32> -> vector<16xf32>
    %jit3A_365 = arith.constant 0.000000e+00 : f32
    %broadcast_in_dim3A_366 = vector.broadcast %jit3A_365 : f32 to vector<16xf32>
    %select_n3A_367 = arith.select %eq3A_341, %gather3A_364, %broadcast_in_dim3A_366 : vector<16xi1>, vector<16xf32>
    %add3A_368 = arith.addf %add3A_317, %select_n3A_367 : vector<16xf32>
    %iota3A_369 = tpu.iota {dimensions = array<i32: 0>} : vector<16xi32>
    %not3A_370 = arith.constant 7 : i32
    %not3A_371 = arith.constant -1 : i32
    %not3A_372 = arith.xori %not3A_370, %not3A_371 : i32
    %and3A_373 = vector.broadcast %not3A_372 : i32 to vector<16xi32>
    %and3A_374 = arith.andi %iota3A_369, %and3A_373 : vector<16xi32>
    %add3A_375 = arith.constant 6 : i32
    %add3A_376 = vector.broadcast %add3A_375 : i32 to vector<16xi32>
    %add3A_377 = arith.addi %iota3A_369, %add3A_376 : vector<16xi32>
    %and3A_378 = arith.constant 7 : i32
    %and3A_379 = vector.broadcast %and3A_378 : i32 to vector<16xi32>
    %and3A_380 = arith.andi %add3A_377, %and3A_379 : vector<16xi32>
    %or3A_381 = arith.ori %and3A_374, %and3A_380 : vector<16xi32>
    %lt3A_382 = arith.constant 0 : i32
    %lt3A_383 = vector.broadcast %lt3A_382 : i32 to vector<16xi32>
    %lt3A_384 = arith.cmpi slt, %or3A_381, %lt3A_383 : vector<16xi32>
    %add3A_385 = arith.constant 16 : i32
    %add3A_386 = vector.broadcast %add3A_385 : i32 to vector<16xi32>
    %add3A_387 = arith.addi %or3A_381, %add3A_386 : vector<16xi32>
    %select_n3A_388 = arith.select %lt3A_384, %add3A_387, %or3A_381 : vector<16xi1>, vector<16xi32>
    %broadcast_in_dim3A_389 = vector.shape_cast %select_n3A_388 : vector<16xi32> to vector<16x1xi32>
    %gather3A_390 = vector.shape_cast %broadcast_in_dim3A_389 : vector<16x1xi32> to vector<16xi32>
    %gather3A_391 = tpu.dynamic_gather %get3A_118[%gather3A_390] in [0] : vector<16xi32>, vector<16xi32> -> vector<16xi32>
    %eq3A_392 = arith.cmpi eq, %gather3A_391, %get3A_118 : vector<16xi32>
    %iota3A_393 = tpu.iota {dimensions = array<i32: 0>} : vector<16xi32>
    %not3A_394 = arith.constant 7 : i32
    %not3A_395 = arith.constant -1 : i32
    %not3A_396 = arith.xori %not3A_394, %not3A_395 : i32
    %and3A_397 = vector.broadcast %not3A_396 : i32 to vector<16xi32>
    %and3A_398 = arith.andi %iota3A_393, %and3A_397 : vector<16xi32>
    %add3A_399 = arith.constant 6 : i32
    %add3A_400 = vector.broadcast %add3A_399 : i32 to vector<16xi32>
    %add3A_401 = arith.addi %iota3A_393, %add3A_400 : vector<16xi32>
    %and3A_402 = arith.constant 7 : i32
    %and3A_403 = vector.broadcast %and3A_402 : i32 to vector<16xi32>
    %and3A_404 = arith.andi %add3A_401, %and3A_403 : vector<16xi32>
    %or3A_405 = arith.ori %and3A_398, %and3A_404 : vector<16xi32>
    %lt3A_406 = arith.constant 0 : i32
    %lt3A_407 = vector.broadcast %lt3A_406 : i32 to vector<16xi32>
    %lt3A_408 = arith.cmpi slt, %or3A_405, %lt3A_407 : vector<16xi32>
    %add3A_409 = arith.constant 16 : i32
    %add3A_410 = vector.broadcast %add3A_409 : i32 to vector<16xi32>
    %add3A_411 = arith.addi %or3A_405, %add3A_410 : vector<16xi32>
    %select_n3A_412 = arith.select %lt3A_408, %add3A_411, %or3A_405 : vector<16xi1>, vector<16xi32>
    %broadcast_in_dim3A_413 = vector.shape_cast %select_n3A_412 : vector<16xi32> to vector<16x1xi32>
    %gather3A_414 = vector.shape_cast %broadcast_in_dim3A_413 : vector<16x1xi32> to vector<16xi32>
    %gather3A_415 = tpu.dynamic_gather %div3A[%gather3A_414] in [0] : vector<16xf32>, vector<16xi32> -> vector<16xf32>
    %jit3A_416 = arith.constant 0.000000e+00 : f32
    %broadcast_in_dim3A_417 = vector.broadcast %jit3A_416 : f32 to vector<16xf32>
    %select_n3A_418 = arith.select %eq3A_392, %gather3A_415, %broadcast_in_dim3A_417 : vector<16xi1>, vector<16xf32>
    %add3A_419 = arith.addf %add3A_368, %select_n3A_418 : vector<16xf32>
    %iota3A_420 = tpu.iota {dimensions = array<i32: 0>} : vector<16xi32>
    %not3A_421 = arith.constant 7 : i32
    %not3A_422 = arith.constant -1 : i32
    %not3A_423 = arith.xori %not3A_421, %not3A_422 : i32
    %and3A_424 = vector.broadcast %not3A_423 : i32 to vector<16xi32>
    %and3A_425 = arith.andi %iota3A_420, %and3A_424 : vector<16xi32>
    %add3A_426 = arith.constant 7 : i32
    %add3A_427 = vector.broadcast %add3A_426 : i32 to vector<16xi32>
    %add3A_428 = arith.addi %iota3A_420, %add3A_427 : vector<16xi32>
    %and3A_429 = arith.constant 7 : i32
    %and3A_430 = vector.broadcast %and3A_429 : i32 to vector<16xi32>
    %and3A_431 = arith.andi %add3A_428, %and3A_430 : vector<16xi32>
    %or3A_432 = arith.ori %and3A_425, %and3A_431 : vector<16xi32>
    %lt3A_433 = arith.constant 0 : i32
    %lt3A_434 = vector.broadcast %lt3A_433 : i32 to vector<16xi32>
    %lt3A_435 = arith.cmpi slt, %or3A_432, %lt3A_434 : vector<16xi32>
    %add3A_436 = arith.constant 16 : i32
    %add3A_437 = vector.broadcast %add3A_436 : i32 to vector<16xi32>
    %add3A_438 = arith.addi %or3A_432, %add3A_437 : vector<16xi32>
    %select_n3A_439 = arith.select %lt3A_435, %add3A_438, %or3A_432 : vector<16xi1>, vector<16xi32>
    %broadcast_in_dim3A_440 = vector.shape_cast %select_n3A_439 : vector<16xi32> to vector<16x1xi32>
    %gather3A_441 = vector.shape_cast %broadcast_in_dim3A_440 : vector<16x1xi32> to vector<16xi32>
    %gather3A_442 = tpu.dynamic_gather %get3A_118[%gather3A_441] in [0] : vector<16xi32>, vector<16xi32> -> vector<16xi32>
    %eq3A_443 = arith.cmpi eq, %gather3A_442, %get3A_118 : vector<16xi32>
    %iota3A_444 = tpu.iota {dimensions = array<i32: 0>} : vector<16xi32>
    %not3A_445 = arith.constant 7 : i32
    %not3A_446 = arith.constant -1 : i32
    %not3A_447 = arith.xori %not3A_445, %not3A_446 : i32
    %and3A_448 = vector.broadcast %not3A_447 : i32 to vector<16xi32>
    %and3A_449 = arith.andi %iota3A_444, %and3A_448 : vector<16xi32>
    %add3A_450 = arith.constant 7 : i32
    %add3A_451 = vector.broadcast %add3A_450 : i32 to vector<16xi32>
    %add3A_452 = arith.addi %iota3A_444, %add3A_451 : vector<16xi32>
    %and3A_453 = arith.constant 7 : i32
    %and3A_454 = vector.broadcast %and3A_453 : i32 to vector<16xi32>
    %and3A_455 = arith.andi %add3A_452, %and3A_454 : vector<16xi32>
    %or3A_456 = arith.ori %and3A_449, %and3A_455 : vector<16xi32>
    %lt3A_457 = arith.constant 0 : i32
    %lt3A_458 = vector.broadcast %lt3A_457 : i32 to vector<16xi32>
    %lt3A_459 = arith.cmpi slt, %or3A_456, %lt3A_458 : vector<16xi32>
    %add3A_460 = arith.constant 16 : i32
    %add3A_461 = vector.broadcast %add3A_460 : i32 to vector<16xi32>
    %add3A_462 = arith.addi %or3A_456, %add3A_461 : vector<16xi32>
    %select_n3A_463 = arith.select %lt3A_459, %add3A_462, %or3A_456 : vector<16xi1>, vector<16xi32>
    %broadcast_in_dim3A_464 = vector.shape_cast %select_n3A_463 : vector<16xi32> to vector<16x1xi32>
    %gather3A_465 = vector.shape_cast %broadcast_in_dim3A_464 : vector<16x1xi32> to vector<16xi32>
    %gather3A_466 = tpu.dynamic_gather %div3A[%gather3A_465] in [0] : vector<16xf32>, vector<16xi32> -> vector<16xf32>
    %jit3A_467 = arith.constant 0.000000e+00 : f32
    %broadcast_in_dim3A_468 = vector.broadcast %jit3A_467 : f32 to vector<16xf32>
    %select_n3A_469 = arith.select %eq3A_443, %gather3A_466, %broadcast_in_dim3A_468 : vector<16xi1>, vector<16xf32>
    %add3A_470 = arith.addf %add3A_419, %select_n3A_469 : vector<16xf32>
    %add3A_471 = arith.constant 0 : i32
    %add3A_472 = arith.addi %mul3A_2, %add3A_471 : i32
    %iota3A_473 = tpu.iota {dimensions = array<i32: 0>} : vector<16xi32>
    %add3A_474 = vector.broadcast %add3A_472 : i32 to vector<16xi32>
    %add3A_475 = arith.addi %add3A_474, %iota3A_473 : vector<16xi32>
    %shift_right_logical3A = arith.constant 3 : i32
    %shift_right_logical3A_476 = vector.broadcast %shift_right_logical3A : i32 to vector<16xi32>
    %shift_right_logical3A_477 = arith.shrui %add3A_475, %shift_right_logical3A_476 : vector<16xi32>
    %mul3A_478 = arith.constant 32000 : i32
    %mul3A_479 = vector.broadcast %mul3A_478 : i32 to vector<16xi32>
    %mul3A_480 = arith.muli %shift_right_logical3A_477, %mul3A_479 : vector<16xi32>
    %add3A_481 = arith.addi %mul3A_480, %get3A_118 : vector<16xi32>
    %swap3A = arith.constant 0 : index
    %swap3A_482 = tpu.vector_load %arg10[%swap3A] {strides = array<i32>} : memref<32xi32, #tpu.memory_space<vmem>>, vector<16xi32>,
    %swap3A_483 = vector.shape_cast %swap3A_482 : vector<16xi32> to vector<16xi32>
    %swap3A_484 = vector.shape_cast %add3A_481 : vector<16xi32> to vector<16xi32>
    tpu.vector_store %arg10[%swap3A], %swap3A_484 {strides = array<i32>} : memref<32xi32, #tpu.memory_space<vmem>>, vector<16xi32>,
    %swap3A_485 = arith.constant 0 : index
    %swap3A_486 = tpu.vector_load %arg11[%swap3A_485] {strides = array<i32>} : memref<32xf32, #tpu.memory_space<vmem>>, vector<16xf32>,
    %swap3A_487 = vector.shape_cast %swap3A_486 : vector<16xf32> to vector<16xf32>
    %swap3A_488 = vector.shape_cast %add3A_470 : vector<16xf32> to vector<16xf32>
    tpu.vector_store %arg11[%swap3A_485], %swap3A_488 {strides = array<i32>} : memref<32xf32, #tpu.memory_space<vmem>>, vector<16xf32>,
    %get3A_489 = arith.constant 16 : index
    %get3A_490 = tpu.vector_load %arg9[%get3A_489] {strides = array<i32>} : memref<32xf32, #tpu.memory_space<vmem>>, vector<16xf32>,
    %get3A_491 = vector.shape_cast %get3A_490 : vector<16xf32> to vector<16xf32>
    %iota3A_492 = tpu.iota {dimensions = array<i32: 0>} : vector<16xi32>
    %xor3A_493 = arith.constant 1 : i32
    %xor3A_494 = vector.broadcast %xor3A_493 : i32 to vector<16xi32>
    %xor3A_495 = arith.xori %iota3A_492, %xor3A_494 : vector<16xi32>
    %lt3A_496 = arith.constant 0 : i32
    %lt3A_497 = vector.broadcast %lt3A_496 : i32 to vector<16xi32>
    %lt3A_498 = arith.cmpi slt, %xor3A_495, %lt3A_497 : vector<16xi32>
    %add3A_499 = arith.constant 16 : i32
    %add3A_500 = vector.broadcast %add3A_499 : i32 to vector<16xi32>
    %add3A_501 = arith.addi %xor3A_495, %add3A_500 : vector<16xi32>
    %select_n3A_502 = arith.select %lt3A_498, %add3A_501, %xor3A_495 : vector<16xi1>, vector<16xi32>
    %broadcast_in_dim3A_503 = vector.shape_cast %select_n3A_502 : vector<16xi32> to vector<16x1xi32>
    %gather3A_504 = vector.shape_cast %broadcast_in_dim3A_503 : vector<16x1xi32> to vector<16xi32>
    %gather3A_505 = tpu.dynamic_gather %get3A_491[%gather3A_504] in [0] : vector<16xf32>, vector<16xi32> -> vector<16xf32>
    %min3A_506 = arith.minimumf %get3A_491, %gather3A_505 : vector<16xf32>
    %iota3A_507 = tpu.iota {dimensions = array<i32: 0>} : vector<16xi32>
    %xor3A_508 = arith.constant 2 : i32
    %xor3A_509 = vector.broadcast %xor3A_508 : i32 to vector<16xi32>
    %xor3A_510 = arith.xori %iota3A_507, %xor3A_509 : vector<16xi32>
    %lt3A_511 = arith.constant 0 : i32
    %lt3A_512 = vector.broadcast %lt3A_511 : i32 to vector<16xi32>
    %lt3A_513 = arith.cmpi slt, %xor3A_510, %lt3A_512 : vector<16xi32>
    %add3A_514 = arith.constant 16 : i32
    %add3A_515 = vector.broadcast %add3A_514 : i32 to vector<16xi32>
    %add3A_516 = arith.addi %xor3A_510, %add3A_515 : vector<16xi32>
    %select_n3A_517 = arith.select %lt3A_513, %add3A_516, %xor3A_510 : vector<16xi1>, vector<16xi32>
    %broadcast_in_dim3A_518 = vector.shape_cast %select_n3A_517 : vector<16xi32> to vector<16x1xi32>
    %gather3A_519 = vector.shape_cast %broadcast_in_dim3A_518 : vector<16x1xi32> to vector<16xi32>
    %gather3A_520 = tpu.dynamic_gather %min3A_506[%gather3A_519] in [0] : vector<16xf32>, vector<16xi32> -> vector<16xf32>
    %min3A_521 = arith.minimumf %min3A_506, %gather3A_520 : vector<16xf32>
    %iota3A_522 = tpu.iota {dimensions = array<i32: 0>} : vector<16xi32>
    %xor3A_523 = arith.constant 4 : i32
    %xor3A_524 = vector.broadcast %xor3A_523 : i32 to vector<16xi32>
    %xor3A_525 = arith.xori %iota3A_522, %xor3A_524 : vector<16xi32>
    %lt3A_526 = arith.constant 0 : i32
    %lt3A_527 = vector.broadcast %lt3A_526 : i32 to vector<16xi32>
    %lt3A_528 = arith.cmpi slt, %xor3A_525, %lt3A_527 : vector<16xi32>
    %add3A_529 = arith.constant 16 : i32
    %add3A_530 = vector.broadcast %add3A_529 : i32 to vector<16xi32>
    %add3A_531 = arith.addi %xor3A_525, %add3A_530 : vector<16xi32>
    %select_n3A_532 = arith.select %lt3A_528, %add3A_531, %xor3A_525 : vector<16xi1>, vector<16xi32>
    %broadcast_in_dim3A_533 = vector.shape_cast %select_n3A_532 : vector<16xi32> to vector<16x1xi32>
    %gather3A_534 = vector.shape_cast %broadcast_in_dim3A_533 : vector<16x1xi32> to vector<16xi32>
    %gather3A_535 = tpu.dynamic_gather %min3A_521[%gather3A_534] in [0] : vector<16xf32>, vector<16xi32> -> vector<16xf32>
    %min3A_536 = arith.minimumf %min3A_521, %gather3A_535 : vector<16xf32>
    %sub3A_537 = arith.subf %min3A_536, %get3A_491 : vector<16xf32>
    %mul3A_538 = arith.constant 1.000000e-01 : f32
    %mul3A_539 = vector.broadcast %mul3A_538 : f32 to vector<16xf32>
    %mul3A_540 = arith.mulf %sub3A_537, %mul3A_539 : vector<16xf32>
    %exp3A_541 = math.exp %mul3A_540 : vector<16xf32>
    %iota3A_542 = tpu.iota {dimensions = array<i32: 0>} : vector<16xi32>
    %xor3A_543 = arith.constant 1 : i32
    %xor3A_544 = vector.broadcast %xor3A_543 : i32 to vector<16xi32>
    %xor3A_545 = arith.xori %iota3A_542, %xor3A_544 : vector<16xi32>
    %lt3A_546 = arith.constant 0 : i32
    %lt3A_547 = vector.broadcast %lt3A_546 : i32 to vector<16xi32>
    %lt3A_548 = arith.cmpi slt, %xor3A_545, %lt3A_547 : vector<16xi32>
    %add3A_549 = arith.constant 16 : i32
    %add3A_550 = vector.broadcast %add3A_549 : i32 to vector<16xi32>
    %add3A_551 = arith.addi %xor3A_545, %add3A_550 : vector<16xi32>
    %select_n3A_552 = arith.select %lt3A_548, %add3A_551, %xor3A_545 : vector<16xi1>, vector<16xi32>
    %broadcast_in_dim3A_553 = vector.shape_cast %select_n3A_552 : vector<16xi32> to vector<16x1xi32>
    %gather3A_554 = vector.shape_cast %broadcast_in_dim3A_553 : vector<16x1xi32> to vector<16xi32>
    %gather3A_555 = tpu.dynamic_gather %exp3A_541[%gather3A_554] in [0] : vector<16xf32>, vector<16xi32> -> vector<16xf32>
    %add3A_556 = arith.addf %exp3A_541, %gather3A_555 : vector<16xf32>
    %iota3A_557 = tpu.iota {dimensions = array<i32: 0>} : vector<16xi32>
    %xor3A_558 = arith.constant 2 : i32
    %xor3A_559 = vector.broadcast %xor3A_558 : i32 to vector<16xi32>
    %xor3A_560 = arith.xori %iota3A_557, %xor3A_559 : vector<16xi32>
    %lt3A_561 = arith.constant 0 : i32
    %lt3A_562 = vector.broadcast %lt3A_561 : i32 to vector<16xi32>
    %lt3A_563 = arith.cmpi slt, %xor3A_560, %lt3A_562 : vector<16xi32>
    %add3A_564 = arith.constant 16 : i32
    %add3A_565 = vector.broadcast %add3A_564 : i32 to vector<16xi32>
    %add3A_566 = arith.addi %xor3A_560, %add3A_565 : vector<16xi32>
    %select_n3A_567 = arith.select %lt3A_563, %add3A_566, %xor3A_560 : vector<16xi1>, vector<16xi32>
    %broadcast_in_dim3A_568 = vector.shape_cast %select_n3A_567 : vector<16xi32> to vector<16x1xi32>
    %gather3A_569 = vector.shape_cast %broadcast_in_dim3A_568 : vector<16x1xi32> to vector<16xi32>
    %gather3A_570 = tpu.dynamic_gather %add3A_556[%gather3A_569] in [0] : vector<16xf32>, vector<16xi32> -> vector<16xf32>
    %add3A_571 = arith.addf %add3A_556, %gather3A_570 : vector<16xf32>
    %iota3A_572 = tpu.iota {dimensions = array<i32: 0>} : vector<16xi32>
    %xor3A_573 = arith.constant 4 : i32
    %xor3A_574 = vector.broadcast %xor3A_573 : i32 to vector<16xi32>
    %xor3A_575 = arith.xori %iota3A_572, %xor3A_574 : vector<16xi32>
    %lt3A_576 = arith.constant 0 : i32
    %lt3A_577 = vector.broadcast %lt3A_576 : i32 to vector<16xi32>
    %lt3A_578 = arith.cmpi slt, %xor3A_575, %lt3A_577 : vector<16xi32>
    %add3A_579 = arith.constant 16 : i32
    %add3A_580 = vector.broadcast %add3A_579 : i32 to vector<16xi32>
    %add3A_581 = arith.addi %xor3A_575, %add3A_580 : vector<16xi32>
    %select_n3A_582 = arith.select %lt3A_578, %add3A_581, %xor3A_575 : vector<16xi1>, vector<16xi32>
    %broadcast_in_dim3A_583 = vector.shape_cast %select_n3A_582 : vector<16xi32> to vector<16x1xi32>
    %gather3A_584 = vector.shape_cast %broadcast_in_dim3A_583 : vector<16x1xi32> to vector<16xi32>
    %gather3A_585 = tpu.dynamic_gather %add3A_571[%gather3A_584] in [0] : vector<16xf32>, vector<16xi32> -> vector<16xf32>
    %add3A_586 = arith.addf %add3A_571, %gather3A_585 : vector<16xf32>
    %div3A_587 = arith.divf %exp3A_541, %add3A_586 : vector<16xf32>
    %get3A_588 = arith.constant 16 : index
    %get3A_589 = tpu.vector_load %arg8[%get3A_588] {strides = array<i32>} : memref<32xi32, #tpu.memory_space<vmem>>, vector<16xi32>,
    %get3A_590 = vector.shape_cast %get3A_589 : vector<16xi32> to vector<16xi32>
    %iota3A_591 = tpu.iota {dimensions = array<i32: 0>} : vector<16xi32>
    %not3A_592 = arith.constant 7 : i32
    %not3A_593 = arith.constant -1 : i32
    %not3A_594 = arith.xori %not3A_592, %not3A_593 : i32
    %and3A_595 = vector.broadcast %not3A_594 : i32 to vector<16xi32>
    %and3A_596 = arith.andi %iota3A_591, %and3A_595 : vector<16xi32>
    %add3A_597 = arith.constant 1 : i32
    %add3A_598 = vector.broadcast %add3A_597 : i32 to vector<16xi32>
    %add3A_599 = arith.addi %iota3A_591, %add3A_598 : vector<16xi32>
    %and3A_600 = arith.constant 7 : i32
    %and3A_601 = vector.broadcast %and3A_600 : i32 to vector<16xi32>
    %and3A_602 = arith.andi %add3A_599, %and3A_601 : vector<16xi32>
    %or3A_603 = arith.ori %and3A_596, %and3A_602 : vector<16xi32>
    %lt3A_604 = arith.constant 0 : i32
    %lt3A_605 = vector.broadcast %lt3A_604 : i32 to vector<16xi32>
    %lt3A_606 = arith.cmpi slt, %or3A_603, %lt3A_605 : vector<16xi32>
    %add3A_607 = arith.constant 16 : i32
    %add3A_608 = vector.broadcast %add3A_607 : i32 to vector<16xi32>
    %add3A_609 = arith.addi %or3A_603, %add3A_608 : vector<16xi32>
    %select_n3A_610 = arith.select %lt3A_606, %add3A_609, %or3A_603 : vector<16xi1>, vector<16xi32>
    %broadcast_in_dim3A_611 = vector.shape_cast %select_n3A_610 : vector<16xi32> to vector<16x1xi32>
    %gather3A_612 = vector.shape_cast %broadcast_in_dim3A_611 : vector<16x1xi32> to vector<16xi32>
    %gather3A_613 = tpu.dynamic_gather %get3A_590[%gather3A_612] in [0] : vector<16xi32>, vector<16xi32> -> vector<16xi32>
    %eq3A_614 = arith.cmpi eq, %gather3A_613, %get3A_590 : vector<16xi32>
    %iota3A_615 = tpu.iota {dimensions = array<i32: 0>} : vector<16xi32>
    %not3A_616 = arith.constant 7 : i32
    %not3A_617 = arith.constant -1 : i32
    %not3A_618 = arith.xori %not3A_616, %not3A_617 : i32
    %and3A_619 = vector.broadcast %not3A_618 : i32 to vector<16xi32>
    %and3A_620 = arith.andi %iota3A_615, %and3A_619 : vector<16xi32>
    %add3A_621 = arith.constant 1 : i32
    %add3A_622 = vector.broadcast %add3A_621 : i32 to vector<16xi32>
    %add3A_623 = arith.addi %iota3A_615, %add3A_622 : vector<16xi32>
    %and3A_624 = arith.constant 7 : i32
    %and3A_625 = vector.broadcast %and3A_624 : i32 to vector<16xi32>
    %and3A_626 = arith.andi %add3A_623, %and3A_625 : vector<16xi32>
    %or3A_627 = arith.ori %and3A_620, %and3A_626 : vector<16xi32>
    %lt3A_628 = arith.constant 0 : i32
    %lt3A_629 = vector.broadcast %lt3A_628 : i32 to vector<16xi32>
    %lt3A_630 = arith.cmpi slt, %or3A_627, %lt3A_629 : vector<16xi32>
    %add3A_631 = arith.constant 16 : i32
    %add3A_632 = vector.broadcast %add3A_631 : i32 to vector<16xi32>
    %add3A_633 = arith.addi %or3A_627, %add3A_632 : vector<16xi32>
    %select_n3A_634 = arith.select %lt3A_630, %add3A_633, %or3A_627 : vector<16xi1>, vector<16xi32>
    %broadcast_in_dim3A_635 = vector.shape_cast %select_n3A_634 : vector<16xi32> to vector<16x1xi32>
    %gather3A_636 = vector.shape_cast %broadcast_in_dim3A_635 : vector<16x1xi32> to vector<16xi32>
    %gather3A_637 = tpu.dynamic_gather %div3A_587[%gather3A_636] in [0] : vector<16xf32>, vector<16xi32> -> vector<16xf32>
    %jit3A_638 = arith.constant 0.000000e+00 : f32
    %broadcast_in_dim3A_639 = vector.broadcast %jit3A_638 : f32 to vector<16xf32>
    %select_n3A_640 = arith.select %eq3A_614, %gather3A_637, %broadcast_in_dim3A_639 : vector<16xi1>, vector<16xf32>
    %add3A_641 = arith.addf %div3A_587, %select_n3A_640 : vector<16xf32>
    %iota3A_642 = tpu.iota {dimensions = array<i32: 0>} : vector<16xi32>
    %not3A_643 = arith.constant 7 : i32
    %not3A_644 = arith.constant -1 : i32
    %not3A_645 = arith.xori %not3A_643, %not3A_644 : i32
    %and3A_646 = vector.broadcast %not3A_645 : i32 to vector<16xi32>
    %and3A_647 = arith.andi %iota3A_642, %and3A_646 : vector<16xi32>
    %add3A_648 = arith.constant 2 : i32
    %add3A_649 = vector.broadcast %add3A_648 : i32 to vector<16xi32>
    %add3A_650 = arith.addi %iota3A_642, %add3A_649 : vector<16xi32>
    %and3A_651 = arith.constant 7 : i32
    %and3A_652 = vector.broadcast %and3A_651 : i32 to vector<16xi32>
    %and3A_653 = arith.andi %add3A_650, %and3A_652 : vector<16xi32>
    %or3A_654 = arith.ori %and3A_647, %and3A_653 : vector<16xi32>
    %lt3A_655 = arith.constant 0 : i32
    %lt3A_656 = vector.broadcast %lt3A_655 : i32 to vector<16xi32>
    %lt3A_657 = arith.cmpi slt, %or3A_654, %lt3A_656 : vector<16xi32>
    %add3A_658 = arith.constant 16 : i32
    %add3A_659 = vector.broadcast %add3A_658 : i32 to vector<16xi32>
    %add3A_660 = arith.addi %or3A_654, %add3A_659 : vector<16xi32>
    %select_n3A_661 = arith.select %lt3A_657, %add3A_660, %or3A_654 : vector<16xi1>, vector<16xi32>
    %broadcast_in_dim3A_662 = vector.shape_cast %select_n3A_661 : vector<16xi32> to vector<16x1xi32>
    %gather3A_663 = vector.shape_cast %broadcast_in_dim3A_662 : vector<16x1xi32> to vector<16xi32>
    %gather3A_664 = tpu.dynamic_gather %get3A_590[%gather3A_663] in [0] : vector<16xi32>, vector<16xi32> -> vector<16xi32>
    %eq3A_665 = arith.cmpi eq, %gather3A_664, %get3A_590 : vector<16xi32>
    %iota3A_666 = tpu.iota {dimensions = array<i32: 0>} : vector<16xi32>
    %not3A_667 = arith.constant 7 : i32
    %not3A_668 = arith.constant -1 : i32
    %not3A_669 = arith.xori %not3A_667, %not3A_668 : i32
    %and3A_670 = vector.broadcast %not3A_669 : i32 to vector<16xi32>
    %and3A_671 = arith.andi %iota3A_666, %and3A_670 : vector<16xi32>
    %add3A_672 = arith.constant 2 : i32
    %add3A_673 = vector.broadcast %add3A_672 : i32 to vector<16xi32>
    %add3A_674 = arith.addi %iota3A_666, %add3A_673 : vector<16xi32>
    %and3A_675 = arith.constant 7 : i32
    %and3A_676 = vector.broadcast %and3A_675 : i32 to vector<16xi32>
    %and3A_677 = arith.andi %add3A_674, %and3A_676 : vector<16xi32>
    %or3A_678 = arith.ori %and3A_671, %and3A_677 : vector<16xi32>
    %lt3A_679 = arith.constant 0 : i32
    %lt3A_680 = vector.broadcast %lt3A_679 : i32 to vector<16xi32>
    %lt3A_681 = arith.cmpi slt, %or3A_678, %lt3A_680 : vector<16xi32>
    %add3A_682 = arith.constant 16 : i32
    %add3A_683 = vector.broadcast %add3A_682 : i32 to vector<16xi32>
    %add3A_684 = arith.addi %or3A_678, %add3A_683 : vector<16xi32>
    %select_n3A_685 = arith.select %lt3A_681, %add3A_684, %or3A_678 : vector<16xi1>, vector<16xi32>
    %broadcast_in_dim3A_686 = vector.shape_cast %select_n3A_685 : vector<16xi32> to vector<16x1xi32>
    %gather3A_687 = vector.shape_cast %broadcast_in_dim3A_686 : vector<16x1xi32> to vector<16xi32>
    %gather3A_688 = tpu.dynamic_gather %div3A_587[%gather3A_687] in [0] : vector<16xf32>, vector<16xi32> -> vector<16xf32>
    %jit3A_689 = arith.constant 0.000000e+00 : f32
    %broadcast_in_dim3A_690 = vector.broadcast %jit3A_689 : f32 to vector<16xf32>
    %select_n3A_691 = arith.select %eq3A_665, %gather3A_688, %broadcast_in_dim3A_690 : vector<16xi1>, vector<16xf32>
    %add3A_692 = arith.addf %add3A_641, %select_n3A_691 : vector<16xf32>
    %iota3A_693 = tpu.iota {dimensions = array<i32: 0>} : vector<16xi32>
    %not3A_694 = arith.constant 7 : i32
    %not3A_695 = arith.constant -1 : i32
    %not3A_696 = arith.xori %not3A_694, %not3A_695 : i32
    %and3A_697 = vector.broadcast %not3A_696 : i32 to vector<16xi32>
    %and3A_698 = arith.andi %iota3A_693, %and3A_697 : vector<16xi32>
    %add3A_699 = arith.constant 3 : i32
    %add3A_700 = vector.broadcast %add3A_699 : i32 to vector<16xi32>
    %add3A_701 = arith.addi %iota3A_693, %add3A_700 : vector<16xi32>
    %and3A_702 = arith.constant 7 : i32
    %and3A_703 = vector.broadcast %and3A_702 : i32 to vector<16xi32>
    %and3A_704 = arith.andi %add3A_701, %and3A_703 : vector<16xi32>
    %or3A_705 = arith.ori %and3A_698, %and3A_704 : vector<16xi32>
    %lt3A_706 = arith.constant 0 : i32
    %lt3A_707 = vector.broadcast %lt3A_706 : i32 to vector<16xi32>
    %lt3A_708 = arith.cmpi slt, %or3A_705, %lt3A_707 : vector<16xi32>
    %add3A_709 = arith.constant 16 : i32
    %add3A_710 = vector.broadcast %add3A_709 : i32 to vector<16xi32>
    %add3A_711 = arith.addi %or3A_705, %add3A_710 : vector<16xi32>
    %select_n3A_712 = arith.select %lt3A_708, %add3A_711, %or3A_705 : vector<16xi1>, vector<16xi32>
    %broadcast_in_dim3A_713 = vector.shape_cast %select_n3A_712 : vector<16xi32> to vector<16x1xi32>
    %gather3A_714 = vector.shape_cast %broadcast_in_dim3A_713 : vector<16x1xi32> to vector<16xi32>
    %gather3A_715 = tpu.dynamic_gather %get3A_590[%gather3A_714] in [0] : vector<16xi32>, vector<16xi32> -> vector<16xi32>
    %eq3A_716 = arith.cmpi eq, %gather3A_715, %get3A_590 : vector<16xi32>
    %iota3A_717 = tpu.iota {dimensions = array<i32: 0>} : vector<16xi32>
    %not3A_718 = arith.constant 7 : i32
    %not3A_719 = arith.constant -1 : i32
    %not3A_720 = arith.xori %not3A_718, %not3A_719 : i32
    %and3A_721 = vector.broadcast %not3A_720 : i32 to vector<16xi32>
    %and3A_722 = arith.andi %iota3A_717, %and3A_721 : vector<16xi32>
    %add3A_723 = arith.constant 3 : i32
    %add3A_724 = vector.broadcast %add3A_723 : i32 to vector<16xi32>
    %add3A_725 = arith.addi %iota3A_717, %add3A_724 : vector<16xi32>
    %and3A_726 = arith.constant 7 : i32
    %and3A_727 = vector.broadcast %and3A_726 : i32 to vector<16xi32>
    %and3A_728 = arith.andi %add3A_725, %and3A_727 : vector<16xi32>
    %or3A_729 = arith.ori %and3A_722, %and3A_728 : vector<16xi32>
    %lt3A_730 = arith.constant 0 : i32
    %lt3A_731 = vector.broadcast %lt3A_730 : i32 to vector<16xi32>
    %lt3A_732 = arith.cmpi slt, %or3A_729, %lt3A_731 : vector<16xi32>
    %add3A_733 = arith.constant 16 : i32
    %add3A_734 = vector.broadcast %add3A_733 : i32 to vector<16xi32>
    %add3A_735 = arith.addi %or3A_729, %add3A_734 : vector<16xi32>
    %select_n3A_736 = arith.select %lt3A_732, %add3A_735, %or3A_729 : vector<16xi1>, vector<16xi32>
    %broadcast_in_dim3A_737 = vector.shape_cast %select_n3A_736 : vector<16xi32> to vector<16x1xi32>
    %gather3A_738 = vector.shape_cast %broadcast_in_dim3A_737 : vector<16x1xi32> to vector<16xi32>
    %gather3A_739 = tpu.dynamic_gather %div3A_587[%gather3A_738] in [0] : vector<16xf32>, vector<16xi32> -> vector<16xf32>
    %jit3A_740 = arith.constant 0.000000e+00 : f32
    %broadcast_in_dim3A_741 = vector.broadcast %jit3A_740 : f32 to vector<16xf32>
    %select_n3A_742 = arith.select %eq3A_716, %gather3A_739, %broadcast_in_dim3A_741 : vector<16xi1>, vector<16xf32>
    %add3A_743 = arith.addf %add3A_692, %select_n3A_742 : vector<16xf32>
    %iota3A_744 = tpu.iota {dimensions = array<i32: 0>} : vector<16xi32>
    %not3A_745 = arith.constant 7 : i32
    %not3A_746 = arith.constant -1 : i32
    %not3A_747 = arith.xori %not3A_745, %not3A_746 : i32
    %and3A_748 = vector.broadcast %not3A_747 : i32 to vector<16xi32>
    %and3A_749 = arith.andi %iota3A_744, %and3A_748 : vector<16xi32>
    %add3A_750 = arith.constant 4 : i32
    %add3A_751 = vector.broadcast %add3A_750 : i32 to vector<16xi32>
    %add3A_752 = arith.addi %iota3A_744, %add3A_751 : vector<16xi32>
    %and3A_753 = arith.constant 7 : i32
    %and3A_754 = vector.broadcast %and3A_753 : i32 to vector<16xi32>
    %and3A_755 = arith.andi %add3A_752, %and3A_754 : vector<16xi32>
    %or3A_756 = arith.ori %and3A_749, %and3A_755 : vector<16xi32>
    %lt3A_757 = arith.constant 0 : i32
    %lt3A_758 = vector.broadcast %lt3A_757 : i32 to vector<16xi32>
    %lt3A_759 = arith.cmpi slt, %or3A_756, %lt3A_758 : vector<16xi32>
    %add3A_760 = arith.constant 16 : i32
    %add3A_761 = vector.broadcast %add3A_760 : i32 to vector<16xi32>
    %add3A_762 = arith.addi %or3A_756, %add3A_761 : vector<16xi32>
    %select_n3A_763 = arith.select %lt3A_759, %add3A_762, %or3A_756 : vector<16xi1>, vector<16xi32>
    %broadcast_in_dim3A_764 = vector.shape_cast %select_n3A_763 : vector<16xi32> to vector<16x1xi32>
    %gather3A_765 = vector.shape_cast %broadcast_in_dim3A_764 : vector<16x1xi32> to vector<16xi32>
    %gather3A_766 = tpu.dynamic_gather %get3A_590[%gather3A_765] in [0] : vector<16xi32>, vector<16xi32> -> vector<16xi32>
    %eq3A_767 = arith.cmpi eq, %gather3A_766, %get3A_590 : vector<16xi32>
    %iota3A_768 = tpu.iota {dimensions = array<i32: 0>} : vector<16xi32>
    %not3A_769 = arith.constant 7 : i32
    %not3A_770 = arith.constant -1 : i32
    %not3A_771 = arith.xori %not3A_769, %not3A_770 : i32
    %and3A_772 = vector.broadcast %not3A_771 : i32 to vector<16xi32>
    %and3A_773 = arith.andi %iota3A_768, %and3A_772 : vector<16xi32>
    %add3A_774 = arith.constant 4 : i32
    %add3A_775 = vector.broadcast %add3A_774 : i32 to vector<16xi32>
    %add3A_776 = arith.addi %iota3A_768, %add3A_775 : vector<16xi32>
    %and3A_777 = arith.constant 7 : i32
    %and3A_778 = vector.broadcast %and3A_777 : i32 to vector<16xi32>
    %and3A_779 = arith.andi %add3A_776, %and3A_778 : vector<16xi32>
    %or3A_780 = arith.ori %and3A_773, %and3A_779 : vector<16xi32>
    %lt3A_781 = arith.constant 0 : i32
    %lt3A_782 = vector.broadcast %lt3A_781 : i32 to vector<16xi32>
    %lt3A_783 = arith.cmpi slt, %or3A_780, %lt3A_782 : vector<16xi32>
    %add3A_784 = arith.constant 16 : i32
    %add3A_785 = vector.broadcast %add3A_784 : i32 to vector<16xi32>
    %add3A_786 = arith.addi %or3A_780, %add3A_785 : vector<16xi32>
    %select_n3A_787 = arith.select %lt3A_783, %add3A_786, %or3A_780 : vector<16xi1>, vector<16xi32>
    %broadcast_in_dim3A_788 = vector.shape_cast %select_n3A_787 : vector<16xi32> to vector<16x1xi32>
    %gather3A_789 = vector.shape_cast %broadcast_in_dim3A_788 : vector<16x1xi32> to vector<16xi32>
    %gather3A_790 = tpu.dynamic_gather %div3A_587[%gather3A_789] in [0] : vector<16xf32>, vector<16xi32> -> vector<16xf32>
    %jit3A_791 = arith.constant 0.000000e+00 : f32
    %broadcast_in_dim3A_792 = vector.broadcast %jit3A_791 : f32 to vector<16xf32>
    %select_n3A_793 = arith.select %eq3A_767, %gather3A_790, %broadcast_in_dim3A_792 : vector<16xi1>, vector<16xf32>
    %add3A_794 = arith.addf %add3A_743, %select_n3A_793 : vector<16xf32>
    %iota3A_795 = tpu.iota {dimensions = array<i32: 0>} : vector<16xi32>
    %not3A_796 = arith.constant 7 : i32
    %not3A_797 = arith.constant -1 : i32
    %not3A_798 = arith.xori %not3A_796, %not3A_797 : i32
    %and3A_799 = vector.broadcast %not3A_798 : i32 to vector<16xi32>
    %and3A_800 = arith.andi %iota3A_795, %and3A_799 : vector<16xi32>
    %add3A_801 = arith.constant 5 : i32
    %add3A_802 = vector.broadcast %add3A_801 : i32 to vector<16xi32>
    %add3A_803 = arith.addi %iota3A_795, %add3A_802 : vector<16xi32>
    %and3A_804 = arith.constant 7 : i32
    %and3A_805 = vector.broadcast %and3A_804 : i32 to vector<16xi32>
    %and3A_806 = arith.andi %add3A_803, %and3A_805 : vector<16xi32>
    %or3A_807 = arith.ori %and3A_800, %and3A_806 : vector<16xi32>
    %lt3A_808 = arith.constant 0 : i32
    %lt3A_809 = vector.broadcast %lt3A_808 : i32 to vector<16xi32>
    %lt3A_810 = arith.cmpi slt, %or3A_807, %lt3A_809 : vector<16xi32>
    %add3A_811 = arith.constant 16 : i32
    %add3A_812 = vector.broadcast %add3A_811 : i32 to vector<16xi32>
    %add3A_813 = arith.addi %or3A_807, %add3A_812 : vector<16xi32>
    %select_n3A_814 = arith.select %lt3A_810, %add3A_813, %or3A_807 : vector<16xi1>, vector<16xi32>
    %broadcast_in_dim3A_815 = vector.shape_cast %select_n3A_814 : vector<16xi32> to vector<16x1xi32>
    %gather3A_816 = vector.shape_cast %broadcast_in_dim3A_815 : vector<16x1xi32> to vector<16xi32>
    %gather3A_817 = tpu.dynamic_gather %get3A_590[%gather3A_816] in [0] : vector<16xi32>, vector<16xi32> -> vector<16xi32>
    %eq3A_818 = arith.cmpi eq, %gather3A_817, %get3A_590 : vector<16xi32>
    %iota3A_819 = tpu.iota {dimensions = array<i32: 0>} : vector<16xi32>
    %not3A_820 = arith.constant 7 : i32
    %not3A_821 = arith.constant -1 : i32
    %not3A_822 = arith.xori %not3A_820, %not3A_821 : i32
    %and3A_823 = vector.broadcast %not3A_822 : i32 to vector<16xi32>
    %and3A_824 = arith.andi %iota3A_819, %and3A_823 : vector<16xi32>
    %add3A_825 = arith.constant 5 : i32
    %add3A_826 = vector.broadcast %add3A_825 : i32 to vector<16xi32>
    %add3A_827 = arith.addi %iota3A_819, %add3A_826 : vector<16xi32>
    %and3A_828 = arith.constant 7 : i32
    %and3A_829 = vector.broadcast %and3A_828 : i32 to vector<16xi32>
    %and3A_830 = arith.andi %add3A_827, %and3A_829 : vector<16xi32>
    %or3A_831 = arith.ori %and3A_824, %and3A_830 : vector<16xi32>
    %lt3A_832 = arith.constant 0 : i32
    %lt3A_833 = vector.broadcast %lt3A_832 : i32 to vector<16xi32>
    %lt3A_834 = arith.cmpi slt, %or3A_831, %lt3A_833 : vector<16xi32>
    %add3A_835 = arith.constant 16 : i32
    %add3A_836 = vector.broadcast %add3A_835 : i32 to vector<16xi32>
    %add3A_837 = arith.addi %or3A_831, %add3A_836 : vector<16xi32>
    %select_n3A_838 = arith.select %lt3A_834, %add3A_837, %or3A_831 : vector<16xi1>, vector<16xi32>
    %broadcast_in_dim3A_839 = vector.shape_cast %select_n3A_838 : vector<16xi32> to vector<16x1xi32>
    %gather3A_840 = vector.shape_cast %broadcast_in_dim3A_839 : vector<16x1xi32> to vector<16xi32>
    %gather3A_841 = tpu.dynamic_gather %div3A_587[%gather3A_840] in [0] : vector<16xf32>, vector<16xi32> -> vector<16xf32>
    %jit3A_842 = arith.constant 0.000000e+00 : f32
    %broadcast_in_dim3A_843 = vector.broadcast %jit3A_842 : f32 to vector<16xf32>
    %select_n3A_844 = arith.select %eq3A_818, %gather3A_841, %broadcast_in_dim3A_843 : vector<16xi1>, vector<16xf32>
    %add3A_845 = arith.addf %add3A_794, %select_n3A_844 : vector<16xf32>
    %iota3A_846 = tpu.iota {dimensions = array<i32: 0>} : vector<16xi32>
    %not3A_847 = arith.constant 7 : i32
    %not3A_848 = arith.constant -1 : i32
    %not3A_849 = arith.xori %not3A_847, %not3A_848 : i32
    %and3A_850 = vector.broadcast %not3A_849 : i32 to vector<16xi32>
    %and3A_851 = arith.andi %iota3A_846, %and3A_850 : vector<16xi32>
    %add3A_852 = arith.constant 6 : i32
    %add3A_853 = vector.broadcast %add3A_852 : i32 to vector<16xi32>
    %add3A_854 = arith.addi %iota3A_846, %add3A_853 : vector<16xi32>
    %and3A_855 = arith.constant 7 : i32
    %and3A_856 = vector.broadcast %and3A_855 : i32 to vector<16xi32>
    %and3A_857 = arith.andi %add3A_854, %and3A_856 : vector<16xi32>
    %or3A_858 = arith.ori %and3A_851, %and3A_857 : vector<16xi32>
    %lt3A_859 = arith.constant 0 : i32
    %lt3A_860 = vector.broadcast %lt3A_859 : i32 to vector<16xi32>
    %lt3A_861 = arith.cmpi slt, %or3A_858, %lt3A_860 : vector<16xi32>
    %add3A_862 = arith.constant 16 : i32
    %add3A_863 = vector.broadcast %add3A_862 : i32 to vector<16xi32>
    %add3A_864 = arith.addi %or3A_858, %add3A_863 : vector<16xi32>
    %select_n3A_865 = arith.select %lt3A_861, %add3A_864, %or3A_858 : vector<16xi1>, vector<16xi32>
    %broadcast_in_dim3A_866 = vector.shape_cast %select_n3A_865 : vector<16xi32> to vector<16x1xi32>
    %gather3A_867 = vector.shape_cast %broadcast_in_dim3A_866 : vector<16x1xi32> to vector<16xi32>
    %gather3A_868 = tpu.dynamic_gather %get3A_590[%gather3A_867] in [0] : vector<16xi32>, vector<16xi32> -> vector<16xi32>
    %eq3A_869 = arith.cmpi eq, %gather3A_868, %get3A_590 : vector<16xi32>
    %iota3A_870 = tpu.iota {dimensions = array<i32: 0>} : vector<16xi32>
    %not3A_871 = arith.constant 7 : i32
    %not3A_872 = arith.constant -1 : i32
    %not3A_873 = arith.xori %not3A_871, %not3A_872 : i32
    %and3A_874 = vector.broadcast %not3A_873 : i32 to vector<16xi32>
    %and3A_875 = arith.andi %iota3A_870, %and3A_874 : vector<16xi32>
    %add3A_876 = arith.constant 6 : i32
    %add3A_877 = vector.broadcast %add3A_876 : i32 to vector<16xi32>
    %add3A_878 = arith.addi %iota3A_870, %add3A_877 : vector<16xi32>
    %and3A_879 = arith.constant 7 : i32
    %and3A_880 = vector.broadcast %and3A_879 : i32 to vector<16xi32>
    %and3A_881 = arith.andi %add3A_878, %and3A_880 : vector<16xi32>
    %or3A_882 = arith.ori %and3A_875, %and3A_881 : vector<16xi32>
    %lt3A_883 = arith.constant 0 : i32
    %lt3A_884 = vector.broadcast %lt3A_883 : i32 to vector<16xi32>
    %lt3A_885 = arith.cmpi slt, %or3A_882, %lt3A_884 : vector<16xi32>
    %add3A_886 = arith.constant 16 : i32
    %add3A_887 = vector.broadcast %add3A_886 : i32 to vector<16xi32>
    %add3A_888 = arith.addi %or3A_882, %add3A_887 : vector<16xi32>
    %select_n3A_889 = arith.select %lt3A_885, %add3A_888, %or3A_882 : vector<16xi1>, vector<16xi32>
    %broadcast_in_dim3A_890 = vector.shape_cast %select_n3A_889 : vector<16xi32> to vector<16x1xi32>
    %gather3A_891 = vector.shape_cast %broadcast_in_dim3A_890 : vector<16x1xi32> to vector<16xi32>
    %gather3A_892 = tpu.dynamic_gather %div3A_587[%gather3A_891] in [0] : vector<16xf32>, vector<16xi32> -> vector<16xf32>
    %jit3A_893 = arith.constant 0.000000e+00 : f32
    %broadcast_in_dim3A_894 = vector.broadcast %jit3A_893 : f32 to vector<16xf32>
    %select_n3A_895 = arith.select %eq3A_869, %gather3A_892, %broadcast_in_dim3A_894 : vector<16xi1>, vector<16xf32>
    %add3A_896 = arith.addf %add3A_845, %select_n3A_895 : vector<16xf32>
    %iota3A_897 = tpu.iota {dimensions = array<i32: 0>} : vector<16xi32>
    %not3A_898 = arith.constant 7 : i32
    %not3A_899 = arith.constant -1 : i32
    %not3A_900 = arith.xori %not3A_898, %not3A_899 : i32
    %and3A_901 = vector.broadcast %not3A_900 : i32 to vector<16xi32>
    %and3A_902 = arith.andi %iota3A_897, %and3A_901 : vector<16xi32>
    %add3A_903 = arith.constant 7 : i32
    %add3A_904 = vector.broadcast %add3A_903 : i32 to vector<16xi32>
    %add3A_905 = arith.addi %iota3A_897, %add3A_904 : vector<16xi32>
    %and3A_906 = arith.constant 7 : i32
    %and3A_907 = vector.broadcast %and3A_906 : i32 to vector<16xi32>
    %and3A_908 = arith.andi %add3A_905, %and3A_907 : vector<16xi32>
    %or3A_909 = arith.ori %and3A_902, %and3A_908 : vector<16xi32>
    %lt3A_910 = arith.constant 0 : i32
    %lt3A_911 = vector.broadcast %lt3A_910 : i32 to vector<16xi32>
    %lt3A_912 = arith.cmpi slt, %or3A_909, %lt3A_911 : vector<16xi32>
    %add3A_913 = arith.constant 16 : i32
    %add3A_914 = vector.broadcast %add3A_913 : i32 to vector<16xi32>
    %add3A_915 = arith.addi %or3A_909, %add3A_914 : vector<16xi32>
    %select_n3A_916 = arith.select %lt3A_912, %add3A_915, %or3A_909 : vector<16xi1>, vector<16xi32>
    %broadcast_in_dim3A_917 = vector.shape_cast %select_n3A_916 : vector<16xi32> to vector<16x1xi32>
    %gather3A_918 = vector.shape_cast %broadcast_in_dim3A_917 : vector<16x1xi32> to vector<16xi32>
    %gather3A_919 = tpu.dynamic_gather %get3A_590[%gather3A_918] in [0] : vector<16xi32>, vector<16xi32> -> vector<16xi32>
    %eq3A_920 = arith.cmpi eq, %gather3A_919, %get3A_590 : vector<16xi32>
    %iota3A_921 = tpu.iota {dimensions = array<i32: 0>} : vector<16xi32>
    %not3A_922 = arith.constant 7 : i32
    %not3A_923 = arith.constant -1 : i32
    %not3A_924 = arith.xori %not3A_922, %not3A_923 : i32
    %and3A_925 = vector.broadcast %not3A_924 : i32 to vector<16xi32>
    %and3A_926 = arith.andi %iota3A_921, %and3A_925 : vector<16xi32>
    %add3A_927 = arith.constant 7 : i32
    %add3A_928 = vector.broadcast %add3A_927 : i32 to vector<16xi32>
    %add3A_929 = arith.addi %iota3A_921, %add3A_928 : vector<16xi32>
    %and3A_930 = arith.constant 7 : i32
    %and3A_931 = vector.broadcast %and3A_930 : i32 to vector<16xi32>
    %and3A_932 = arith.andi %add3A_929, %and3A_931 : vector<16xi32>
    %or3A_933 = arith.ori %and3A_926, %and3A_932 : vector<16xi32>
    %lt3A_934 = arith.constant 0 : i32
    %lt3A_935 = vector.broadcast %lt3A_934 : i32 to vector<16xi32>
    %lt3A_936 = arith.cmpi slt, %or3A_933, %lt3A_935 : vector<16xi32>
    %add3A_937 = arith.constant 16 : i32
    %add3A_938 = vector.broadcast %add3A_937 : i32 to vector<16xi32>
    %add3A_939 = arith.addi %or3A_933, %add3A_938 : vector<16xi32>
    %select_n3A_940 = arith.select %lt3A_936, %add3A_939, %or3A_933 : vector<16xi1>, vector<16xi32>
    %broadcast_in_dim3A_941 = vector.shape_cast %select_n3A_940 : vector<16xi32> to vector<16x1xi32>
    %gather3A_942 = vector.shape_cast %broadcast_in_dim3A_941 : vector<16x1xi32> to vector<16xi32>
    %gather3A_943 = tpu.dynamic_gather %div3A_587[%gather3A_942] in [0] : vector<16xf32>, vector<16xi32> -> vector<16xf32>
    %jit3A_944 = arith.constant 0.000000e+00 : f32
    %broadcast_in_dim3A_945 = vector.broadcast %jit3A_944 : f32 to vector<16xf32>
    %select_n3A_946 = arith.select %eq3A_920, %gather3A_943, %broadcast_in_dim3A_945 : vector<16xi1>, vector<16xf32>
    %add3A_947 = arith.addf %add3A_896, %select_n3A_946 : vector<16xf32>
    %add3A_948 = arith.constant 16 : i32
    %add3A_949 = arith.addi %mul3A_2, %add3A_948 : i32
    %iota3A_950 = tpu.iota {dimensions = array<i32: 0>} : vector<16xi32>
    %add3A_951 = vector.broadcast %add3A_949 : i32 to vector<16xi32>
    %add3A_952 = arith.addi %add3A_951, %iota3A_950 : vector<16xi32>
    %shift_right_logical3A_953 = arith.constant 3 : i32
    %shift_right_logical3A_954 = vector.broadcast %shift_right_logical3A_953 : i32 to vector<16xi32>
    %shift_right_logical3A_955 = arith.shrui %add3A_952, %shift_right_logical3A_954 : vector<16xi32>
    %mul3A_956 = arith.constant 32000 : i32
    %mul3A_957 = vector.broadcast %mul3A_956 : i32 to vector<16xi32>
    %mul3A_958 = arith.muli %shift_right_logical3A_955, %mul3A_957 : vector<16xi32>
    %add3A_959 = arith.addi %mul3A_958, %get3A_590 : vector<16xi32>
    %swap3A_960 = arith.constant 16 : index
    %swap3A_961 = tpu.vector_load %arg10[%swap3A_960] {strides = array<i32>} : memref<32xi32, #tpu.memory_space<vmem>>, vector<16xi32>,
    %swap3A_962 = vector.shape_cast %swap3A_961 : vector<16xi32> to vector<16xi32>
    %swap3A_963 = vector.shape_cast %add3A_959 : vector<16xi32> to vector<16xi32>
    tpu.vector_store %arg10[%swap3A_960], %swap3A_963 {strides = array<i32>} : memref<32xi32, #tpu.memory_space<vmem>>, vector<16xi32>,
    %swap3A_964 = arith.constant 16 : index
    %swap3A_965 = tpu.vector_load %arg11[%swap3A_964] {strides = array<i32>} : memref<32xf32, #tpu.memory_space<vmem>>, vector<16xf32>,
    %swap3A_966 = vector.shape_cast %swap3A_965 : vector<16xf32> to vector<16xf32>
    %swap3A_967 = vector.shape_cast %add3A_947 : vector<16xf32> to vector<16xf32>
    tpu.vector_store %arg11[%swap3A_964], %swap3A_967 {strides = array<i32>} : memref<32xf32, #tpu.memory_space<vmem>>, vector<16xf32>,
    %dma_start3A_968 = arith.constant 0 : i32
    %dma_start3A_969 = tpu.memref_slice %arg5[%dma_start3A_968] : memref<4096000xf32, #tpu.memory_space<hbm>> -> memref<4096000xf32, #tpu.memory_space<hbm>>
    tpu.enqueue_indirect_dma source(%arg11 : memref<32xf32, #tpu.memory_space<vmem>>) target(%dma_start3A_969 : memref<4096000xf32, #tpu.memory_space<hbm>>) offsets(%arg10 : memref<32xi32, #tpu.memory_space<vmem>>) semaphore(%arg12 : memref<!tpu.dma_semaphore, #tpu.memory_space<semaphore_mem>>)
    %dma_wait3A_970 = arith.constant 0 : i32
    %dma_wait3A_971 = tpu.memref_slice %arg5[%dma_wait3A_970] : memref<4096000xf32, #tpu.memory_space<hbm>> -> memref<4096000xf32, #tpu.memory_space<hbm>>
    tpu.wait_indirect_dma semaphore(%arg12 : memref<!tpu.dma_semaphore, #tpu.memory_space<semaphore_mem>>) src(%arg11 : memref<32xf32, #tpu.memory_space<vmem>>) dst(%dma_wait3A_971 : memref<4096000xf32, #tpu.memory_space<hbm>>)
    return
  }
}

module attributes {stable_mosaic.version = 14 : i64} {
  func.func @_topk_body(%arg0: i32, %arg1: memref<512x128xf32, #tpu.memory_space<vmem>>, %arg2: memref<512x8xf32, #tpu.memory_space<vmem>>, %arg3: memref<4000x512xf32, #tpu.memory_space<vmem>>, %arg4: memref<8x128xf32, #tpu.memory_space<vmem>>, %arg5: memref<8x128xi32, #tpu.memory_space<vmem>>, %arg6: memref<8x128xi32, #tpu.memory_space<vmem>>) attributes {dimension_semantics = [#tpu.dimension_semantics<arbitrary>], iteration_bounds = array<i64: 25>, scalar_prefetch = 0 : i64, scratch_operands = 1 : i64, tpu.core_type = #tpu.core_type<tc>, window_params = [{pipeline_mode = #tpu.pipeline_mode<synchronous>, transform_indices = @transform_0, window_bounds = array<i64: 512, 128>}, {pipeline_mode = #tpu.pipeline_mode<synchronous>, transform_indices = @transform_1, window_bounds = array<i64: 512, 8>}, {transform_indices = @transform_2, window_bounds = array<i64: 4000, 512>}, {pipeline_mode = #tpu.pipeline_mode<synchronous>, transform_indices = @transform_3, window_bounds = array<i64: 8, 128>}, {pipeline_mode = #tpu.pipeline_mode<synchronous>, transform_indices = @transform_4, window_bounds = array<i64: 8, 128>}]} {
    %get3A = arith.constant 0 : index
    %get3A_0 = arith.constant 0 : index
    %get3A_1 = vector.load %arg3[%get3A, %get3A_0] : memref<4000x512xf32, #tpu.memory_space<vmem>>, vector<4000x512xf32>
    %get3A_2 = arith.constant 0 : index
    %get3A_3 = arith.constant 0 : index
    %get3A_4 = vector.load %arg1[%get3A_2, %get3A_3] : memref<512x128xf32, #tpu.memory_space<vmem>>, vector<512x128xf32>
    %dot_general3A = arith.constant dense<0.000000e+00> : vector<4000x128xf32>
    %dot_general3A_5 = tpu.matmul %get3A_1, %get3A_4, %dot_general3A {dimension_numbers = #tpu.dot_dimension_numbers<[1], [0], [0], [1], [0, 0, 1, 1], [], []>, transpose_lhs_hint = false} : vector<4000x512xf32>, vector<512x128xf32>, vector<4000x128xf32> -> vector<4000x128xf32>
    %mul3A = arith.mulf %get3A_1, %get3A_1 : vector<4000x512xf32>
    %get3A_6 = arith.constant 0 : index
    %get3A_7 = arith.constant 0 : index
    %get3A_8 = vector.load %arg2[%get3A_6, %get3A_7] : memref<512x8xf32, #tpu.memory_space<vmem>>, vector<512x8xf32>
    %dot_general3A_9 = arith.constant dense<0.000000e+00> : vector<4000x8xf32>
    %dot_general3A_10 = tpu.matmul %mul3A, %get3A_8, %dot_general3A_9 {dimension_numbers = #tpu.dot_dimension_numbers<[1], [0], [0], [1], [0, 0, 1, 1], [], []>, transpose_lhs_hint = false} : vector<4000x512xf32>, vector<512x8xf32>, vector<4000x8xf32> -> vector<4000x8xf32>
    %slice3A = vector.extract_strided_slice %dot_general3A_10 {offsets = [0, 0], sizes = [4000, 1], strides = [1, 1]} : vector<4000x8xf32> to vector<4000x1xf32>
    %broadcast_in_dim3A = vector.shape_cast %slice3A : vector<4000x1xf32> to vector<4000x1xf32>
    %broadcast_in_dim3A_11 = vector.broadcast %broadcast_in_dim3A : vector<4000x1xf32> to vector<4000x128xf32>
    %get3A_12 = arith.constant 0 : index
    %get3A_13 = arith.constant 0 : index
    %get3A_14 = vector.load %arg1[%get3A_12, %get3A_13] : memref<512x128xf32, #tpu.memory_space<vmem>>, vector<512x128xf32>
    %mul3A_15 = arith.mulf %get3A_14, %get3A_14 : vector<512x128xf32>
    %reduce_sum3A = arith.constant dense<0.000000e+00> : vector<128xf32>
    %reduce_sum3A_16 = vector.multi_reduction <add>, %mul3A_15, %reduce_sum3A [0] : vector<512x128xf32> to vector<128xf32>
    %broadcast_in_dim3A_17 = vector.shape_cast %reduce_sum3A_16 : vector<128xf32> to vector<1x128xf32>
    %mul3A_18 = arith.constant 2.500000e-01 : f32
    %mul3A_19 = vector.broadcast %mul3A_18 : f32 to vector<1x128xf32>
    %mul3A_20 = arith.mulf %mul3A_19, %broadcast_in_dim3A_17 : vector<1x128xf32>
    %add3A = arith.addf %dot_general3A_5, %broadcast_in_dim3A_11 : vector<4000x128xf32>
    %add3A_21 = vector.broadcast %mul3A_20 : vector<1x128xf32> to vector<4000x128xf32>
    %add3A_22 = arith.addf %add3A, %add3A_21 : vector<4000x128xf32>
    %iota3A = tpu.iota {dimensions = array<i32: 0>} : vector<4000x128xi32>
    %bitcast_convert_type3A = tpu.bitcast %add3A_22 : vector<4000x128xf32> -> vector<4000x128xi32>
    %and3A = arith.constant -4096 : i32
    %and3A_23 = vector.broadcast %and3A : i32 to vector<4000x128xi32>
    %and3A_24 = arith.andi %bitcast_convert_type3A, %and3A_23 : vector<4000x128xi32>
    %or3A = arith.ori %and3A_24, %iota3A : vector<4000x128xi32>
    %slice3A_25 = vector.extract_strided_slice %or3A {offsets = [0, 0], sizes = [2000, 128], strides = [1, 1]} : vector<4000x128xi32> to vector<2000x128xi32>
    %slice3A_26 = vector.extract_strided_slice %or3A {offsets = [2000, 0], sizes = [2000, 128], strides = [1, 1]} : vector<4000x128xi32> to vector<2000x128xi32>
    %min3A = arith.minsi %slice3A_25, %slice3A_26 : vector<2000x128xi32>
    %slice3A_27 = vector.extract_strided_slice %min3A {offsets = [0, 0], sizes = [1000, 128], strides = [1, 1]} : vector<2000x128xi32> to vector<1000x128xi32>
    %slice3A_28 = vector.extract_strided_slice %min3A {offsets = [1000, 0], sizes = [1000, 128], strides = [1, 1]} : vector<2000x128xi32> to vector<1000x128xi32>
    %min3A_29 = arith.minsi %slice3A_27, %slice3A_28 : vector<1000x128xi32>
    %slice3A_30 = vector.extract_strided_slice %min3A_29 {offsets = [0, 0], sizes = [500, 128], strides = [1, 1]} : vector<1000x128xi32> to vector<500x128xi32>
    %slice3A_31 = vector.extract_strided_slice %min3A_29 {offsets = [500, 0], sizes = [500, 128], strides = [1, 1]} : vector<1000x128xi32> to vector<500x128xi32>
    %min3A_32 = arith.minsi %slice3A_30, %slice3A_31 : vector<500x128xi32>
    %slice3A_33 = vector.extract_strided_slice %min3A_32 {offsets = [0, 0], sizes = [250, 128], strides = [1, 1]} : vector<500x128xi32> to vector<250x128xi32>
    %slice3A_34 = vector.extract_strided_slice %min3A_32 {offsets = [250, 0], sizes = [250, 128], strides = [1, 1]} : vector<500x128xi32> to vector<250x128xi32>
    %min3A_35 = arith.minsi %slice3A_33, %slice3A_34 : vector<250x128xi32>
    %reduce_min3A = arith.constant dense<2147483647> : vector<128xi32>
    %reduce_min3A_36 = vector.multi_reduction <minsi>, %min3A_35, %reduce_min3A [0] : vector<250x128xi32> to vector<128xi32>
    %broadcast_in_dim3A_37 = vector.shape_cast %reduce_min3A_36 : vector<128xi32> to vector<1x128xi32>
    %and3A_38 = arith.constant 4095 : i32
    %and3A_39 = vector.broadcast %and3A_38 : i32 to vector<1x128xi32>
    %and3A_40 = arith.andi %broadcast_in_dim3A_37, %and3A_39 : vector<1x128xi32>
    %mul3A_41 = arith.constant 4000 : i32
    %mul3A_42 = arith.muli %arg0, %mul3A_41 : i32
    %add3A_43 = vector.broadcast %mul3A_42 : i32 to vector<1x128xi32>
    %add3A_44 = arith.addi %and3A_40, %add3A_43 : vector<1x128xi32>
    %gt3A = vector.broadcast %broadcast_in_dim3A_37 : vector<1x128xi32> to vector<250x128xi32>
    %gt3A_45 = arith.cmpi sgt, %min3A_35, %gt3A : vector<250x128xi32>
    %jit3A = arith.constant 2147483647 : i32
    %broadcast_in_dim3A_46 = vector.broadcast %jit3A : i32 to vector<250x128xi32>
    %select_n3A = arith.select %gt3A_45, %min3A_35, %broadcast_in_dim3A_46 : vector<250x128xi1>, vector<250x128xi32>
    %reduce_min3A_47 = arith.constant dense<2147483647> : vector<128xi32>
    %reduce_min3A_48 = vector.multi_reduction <minsi>, %select_n3A, %reduce_min3A_47 [0] : vector<250x128xi32> to vector<128xi32>
    %broadcast_in_dim3A_49 = vector.shape_cast %reduce_min3A_48 : vector<128xi32> to vector<1x128xi32>
    %and3A_50 = arith.constant 4095 : i32
    %and3A_51 = vector.broadcast %and3A_50 : i32 to vector<1x128xi32>
    %and3A_52 = arith.andi %broadcast_in_dim3A_49, %and3A_51 : vector<1x128xi32>
    %mul3A_53 = arith.constant 4000 : i32
    %mul3A_54 = arith.muli %arg0, %mul3A_53 : i32
    %add3A_55 = vector.broadcast %mul3A_54 : i32 to vector<1x128xi32>
    %add3A_56 = arith.addi %and3A_52, %add3A_55 : vector<1x128xi32>
    %gt3A_57 = vector.broadcast %broadcast_in_dim3A_49 : vector<1x128xi32> to vector<250x128xi32>
    %gt3A_58 = arith.cmpi sgt, %min3A_35, %gt3A_57 : vector<250x128xi32>
    %jit3A_59 = arith.constant 2147483647 : i32
    %broadcast_in_dim3A_60 = vector.broadcast %jit3A_59 : i32 to vector<250x128xi32>
    %select_n3A_61 = arith.select %gt3A_58, %min3A_35, %broadcast_in_dim3A_60 : vector<250x128xi1>, vector<250x128xi32>
    %reduce_min3A_62 = arith.constant dense<2147483647> : vector<128xi32>
    %reduce_min3A_63 = vector.multi_reduction <minsi>, %select_n3A_61, %reduce_min3A_62 [0] : vector<250x128xi32> to vector<128xi32>
    %broadcast_in_dim3A_64 = vector.shape_cast %reduce_min3A_63 : vector<128xi32> to vector<1x128xi32>
    %and3A_65 = arith.constant 4095 : i32
    %and3A_66 = vector.broadcast %and3A_65 : i32 to vector<1x128xi32>
    %and3A_67 = arith.andi %broadcast_in_dim3A_64, %and3A_66 : vector<1x128xi32>
    %mul3A_68 = arith.constant 4000 : i32
    %mul3A_69 = arith.muli %arg0, %mul3A_68 : i32
    %add3A_70 = vector.broadcast %mul3A_69 : i32 to vector<1x128xi32>
    %add3A_71 = arith.addi %and3A_67, %add3A_70 : vector<1x128xi32>
    %gt3A_72 = vector.broadcast %broadcast_in_dim3A_64 : vector<1x128xi32> to vector<250x128xi32>
    %gt3A_73 = arith.cmpi sgt, %min3A_35, %gt3A_72 : vector<250x128xi32>
    %jit3A_74 = arith.constant 2147483647 : i32
    %broadcast_in_dim3A_75 = vector.broadcast %jit3A_74 : i32 to vector<250x128xi32>
    %select_n3A_76 = arith.select %gt3A_73, %min3A_35, %broadcast_in_dim3A_75 : vector<250x128xi1>, vector<250x128xi32>
    %reduce_min3A_77 = arith.constant dense<2147483647> : vector<128xi32>
    %reduce_min3A_78 = vector.multi_reduction <minsi>, %select_n3A_76, %reduce_min3A_77 [0] : vector<250x128xi32> to vector<128xi32>
    %broadcast_in_dim3A_79 = vector.shape_cast %reduce_min3A_78 : vector<128xi32> to vector<1x128xi32>
    %and3A_80 = arith.constant 4095 : i32
    %and3A_81 = vector.broadcast %and3A_80 : i32 to vector<1x128xi32>
    %and3A_82 = arith.andi %broadcast_in_dim3A_79, %and3A_81 : vector<1x128xi32>
    %mul3A_83 = arith.constant 4000 : i32
    %mul3A_84 = arith.muli %arg0, %mul3A_83 : i32
    %add3A_85 = vector.broadcast %mul3A_84 : i32 to vector<1x128xi32>
    %add3A_86 = arith.addi %and3A_82, %add3A_85 : vector<1x128xi32>
    %gt3A_87 = vector.broadcast %broadcast_in_dim3A_79 : vector<1x128xi32> to vector<250x128xi32>
    %gt3A_88 = arith.cmpi sgt, %min3A_35, %gt3A_87 : vector<250x128xi32>
    %jit3A_89 = arith.constant 2147483647 : i32
    %broadcast_in_dim3A_90 = vector.broadcast %jit3A_89 : i32 to vector<250x128xi32>
    %select_n3A_91 = arith.select %gt3A_88, %min3A_35, %broadcast_in_dim3A_90 : vector<250x128xi1>, vector<250x128xi32>
    %reduce_min3A_92 = arith.constant dense<2147483647> : vector<128xi32>
    %reduce_min3A_93 = vector.multi_reduction <minsi>, %select_n3A_91, %reduce_min3A_92 [0] : vector<250x128xi32> to vector<128xi32>
    %broadcast_in_dim3A_94 = vector.shape_cast %reduce_min3A_93 : vector<128xi32> to vector<1x128xi32>
    %and3A_95 = arith.constant 4095 : i32
    %and3A_96 = vector.broadcast %and3A_95 : i32 to vector<1x128xi32>
    %and3A_97 = arith.andi %broadcast_in_dim3A_94, %and3A_96 : vector<1x128xi32>
    %mul3A_98 = arith.constant 4000 : i32
    %mul3A_99 = arith.muli %arg0, %mul3A_98 : i32
    %add3A_100 = vector.broadcast %mul3A_99 : i32 to vector<1x128xi32>
    %add3A_101 = arith.addi %and3A_97, %add3A_100 : vector<1x128xi32>
    %gt3A_102 = vector.broadcast %broadcast_in_dim3A_94 : vector<1x128xi32> to vector<250x128xi32>
    %gt3A_103 = arith.cmpi sgt, %min3A_35, %gt3A_102 : vector<250x128xi32>
    %jit3A_104 = arith.constant 2147483647 : i32
    %broadcast_in_dim3A_105 = vector.broadcast %jit3A_104 : i32 to vector<250x128xi32>
    %select_n3A_106 = arith.select %gt3A_103, %min3A_35, %broadcast_in_dim3A_105 : vector<250x128xi1>, vector<250x128xi32>
    %reduce_min3A_107 = arith.constant dense<2147483647> : vector<128xi32>
    %reduce_min3A_108 = vector.multi_reduction <minsi>, %select_n3A_106, %reduce_min3A_107 [0] : vector<250x128xi32> to vector<128xi32>
    %broadcast_in_dim3A_109 = vector.shape_cast %reduce_min3A_108 : vector<128xi32> to vector<1x128xi32>
    %and3A_110 = arith.constant 4095 : i32
    %and3A_111 = vector.broadcast %and3A_110 : i32 to vector<1x128xi32>
    %and3A_112 = arith.andi %broadcast_in_dim3A_109, %and3A_111 : vector<1x128xi32>
    %mul3A_113 = arith.constant 4000 : i32
    %mul3A_114 = arith.muli %arg0, %mul3A_113 : i32
    %add3A_115 = vector.broadcast %mul3A_114 : i32 to vector<1x128xi32>
    %add3A_116 = arith.addi %and3A_112, %add3A_115 : vector<1x128xi32>
    %gt3A_117 = vector.broadcast %broadcast_in_dim3A_109 : vector<1x128xi32> to vector<250x128xi32>
    %gt3A_118 = arith.cmpi sgt, %min3A_35, %gt3A_117 : vector<250x128xi32>
    %jit3A_119 = arith.constant 2147483647 : i32
    %broadcast_in_dim3A_120 = vector.broadcast %jit3A_119 : i32 to vector<250x128xi32>
    %select_n3A_121 = arith.select %gt3A_118, %min3A_35, %broadcast_in_dim3A_120 : vector<250x128xi1>, vector<250x128xi32>
    %reduce_min3A_122 = arith.constant dense<2147483647> : vector<128xi32>
    %reduce_min3A_123 = vector.multi_reduction <minsi>, %select_n3A_121, %reduce_min3A_122 [0] : vector<250x128xi32> to vector<128xi32>
    %broadcast_in_dim3A_124 = vector.shape_cast %reduce_min3A_123 : vector<128xi32> to vector<1x128xi32>
    %and3A_125 = arith.constant 4095 : i32
    %and3A_126 = vector.broadcast %and3A_125 : i32 to vector<1x128xi32>
    %and3A_127 = arith.andi %broadcast_in_dim3A_124, %and3A_126 : vector<1x128xi32>
    %mul3A_128 = arith.constant 4000 : i32
    %mul3A_129 = arith.muli %arg0, %mul3A_128 : i32
    %add3A_130 = vector.broadcast %mul3A_129 : i32 to vector<1x128xi32>
    %add3A_131 = arith.addi %and3A_127, %add3A_130 : vector<1x128xi32>
    %gt3A_132 = vector.broadcast %broadcast_in_dim3A_124 : vector<1x128xi32> to vector<250x128xi32>
    %gt3A_133 = arith.cmpi sgt, %min3A_35, %gt3A_132 : vector<250x128xi32>
    %jit3A_134 = arith.constant 2147483647 : i32
    %broadcast_in_dim3A_135 = vector.broadcast %jit3A_134 : i32 to vector<250x128xi32>
    %select_n3A_136 = arith.select %gt3A_133, %min3A_35, %broadcast_in_dim3A_135 : vector<250x128xi1>, vector<250x128xi32>
    %reduce_min3A_137 = arith.constant dense<2147483647> : vector<128xi32>
    %reduce_min3A_138 = vector.multi_reduction <minsi>, %select_n3A_136, %reduce_min3A_137 [0] : vector<250x128xi32> to vector<128xi32>
    %broadcast_in_dim3A_139 = vector.shape_cast %reduce_min3A_138 : vector<128xi32> to vector<1x128xi32>
    %and3A_140 = arith.constant 4095 : i32
    %and3A_141 = vector.broadcast %and3A_140 : i32 to vector<1x128xi32>
    %and3A_142 = arith.andi %broadcast_in_dim3A_139, %and3A_141 : vector<1x128xi32>
    %mul3A_143 = arith.constant 4000 : i32
    %mul3A_144 = arith.muli %arg0, %mul3A_143 : i32
    %add3A_145 = vector.broadcast %mul3A_144 : i32 to vector<1x128xi32>
    %add3A_146 = arith.addi %and3A_142, %add3A_145 : vector<1x128xi32>
    %concatenate3A = tpu.concatenate %broadcast_in_dim3A_37, %broadcast_in_dim3A_49, %broadcast_in_dim3A_64, %broadcast_in_dim3A_79, %broadcast_in_dim3A_94, %broadcast_in_dim3A_109, %broadcast_in_dim3A_124, %broadcast_in_dim3A_139 in 0 : vector<1x128xi32>, vector<1x128xi32>, vector<1x128xi32>, vector<1x128xi32>, vector<1x128xi32>, vector<1x128xi32>, vector<1x128xi32>, vector<1x128xi32> -> vector<8x128xi32>
    %concatenate3A_147 = tpu.concatenate %add3A_44, %add3A_56, %add3A_71, %add3A_86, %add3A_101, %add3A_116, %add3A_131, %add3A_146 in 0 : vector<1x128xi32>, vector<1x128xi32>, vector<1x128xi32>, vector<1x128xi32>, vector<1x128xi32>, vector<1x128xi32>, vector<1x128xi32>, vector<1x128xi32> -> vector<8x128xi32>
    %eq3A = arith.constant 0 : i32
    %eq3A_148 = arith.cmpi eq, %arg0, %eq3A : i32
    %convert_element_type3A = arith.extui %eq3A_148 : i1 to i32
    %cond3A = arith.constant 0 : i32
    %cond3A_149 = arith.cmpi ne, %convert_element_type3A, %cond3A : i32
    scf.if %cond3A_149 {
      %swap3A = arith.constant 0 : index
      %swap3A_160 = arith.constant 0 : index
      %swap3A_161 = vector.load %arg6[%swap3A, %swap3A_160] : memref<8x128xi32, #tpu.memory_space<vmem>>, vector<8x128xi32>
      tpu.vector_store %arg6[%swap3A, %swap3A_160], %concatenate3A {strides = array<i32>} : memref<8x128xi32, #tpu.memory_space<vmem>>, vector<8x128xi32>,
      %swap3A_162 = arith.constant 0 : index
      %swap3A_163 = arith.constant 0 : index
      %swap3A_164 = vector.load %arg5[%swap3A_162, %swap3A_163] : memref<8x128xi32, #tpu.memory_space<vmem>>, vector<8x128xi32>
      tpu.vector_store %arg5[%swap3A_162, %swap3A_163], %concatenate3A_147 {strides = array<i32>} : memref<8x128xi32, #tpu.memory_space<vmem>>, vector<8x128xi32>,
    } else {
    }
    %gt3A_150 = arith.constant 0 : i32
    %gt3A_151 = arith.cmpi sgt, %arg0, %gt3A_150 : i32
    %convert_element_type3A_152 = arith.extui %gt3A_151 : i1 to i32
    %cond3A_153 = arith.constant 0 : i32
    %cond3A_154 = arith.cmpi ne, %convert_element_type3A_152, %cond3A_153 : i32
    scf.if %cond3A_154 {
      %get3A_160 = arith.constant 0 : index
      %get3A_161 = arith.constant 0 : index
      %get3A_162 = vector.load %arg6[%get3A_160, %get3A_161] : memref<8x128xi32, #tpu.memory_space<vmem>>, vector<8x128xi32>
      %concatenate3A_163 = tpu.concatenate %get3A_162, %concatenate3A in 0 : vector<8x128xi32>, vector<8x128xi32> -> vector<16x128xi32>
      %get3A_164 = arith.constant 0 : index
      %get3A_165 = arith.constant 0 : index
      %get3A_166 = vector.load %arg5[%get3A_164, %get3A_165] : memref<8x128xi32, #tpu.memory_space<vmem>>, vector<8x128xi32>
      %concatenate3A_167 = tpu.concatenate %get3A_166, %concatenate3A_147 in 0 : vector<8x128xi32>, vector<8x128xi32> -> vector<16x128xi32>
      %reduce_min3A_168 = arith.constant dense<2147483647> : vector<128xi32>
      %reduce_min3A_169 = vector.multi_reduction <minsi>, %concatenate3A_163, %reduce_min3A_168 [0] : vector<16x128xi32> to vector<128xi32>
      %broadcast_in_dim3A_170 = vector.shape_cast %reduce_min3A_169 : vector<128xi32> to vector<1x128xi32>
      %eq3A_171 = vector.broadcast %broadcast_in_dim3A_170 : vector<1x128xi32> to vector<16x128xi32>
      %eq3A_172 = arith.cmpi eq, %concatenate3A_163, %eq3A_171 : vector<16x128xi32>
      %jit3A_173 = arith.constant 2147483647 : i32
      %broadcast_in_dim3A_174 = vector.broadcast %jit3A_173 : i32 to vector<16x128xi32>
      %select_n3A_175 = arith.select %eq3A_172, %concatenate3A_167, %broadcast_in_dim3A_174 : vector<16x128xi1>, vector<16x128xi32>
      %reduce_min3A_176 = arith.constant dense<2147483647> : vector<128xi32>
      %reduce_min3A_177 = vector.multi_reduction <minsi>, %select_n3A_175, %reduce_min3A_176 [0] : vector<16x128xi32> to vector<128xi32>
      %broadcast_in_dim3A_178 = vector.shape_cast %reduce_min3A_177 : vector<128xi32> to vector<1x128xi32>
      %eq3A_179 = vector.broadcast %broadcast_in_dim3A_170 : vector<1x128xi32> to vector<16x128xi32>
      %eq3A_180 = arith.cmpi eq, %concatenate3A_163, %eq3A_179 : vector<16x128xi32>
      %eq3A_181 = vector.broadcast %broadcast_in_dim3A_178 : vector<1x128xi32> to vector<16x128xi32>
      %eq3A_182 = arith.cmpi eq, %concatenate3A_167, %eq3A_181 : vector<16x128xi32>
      %and3A_183 = arith.andi %eq3A_180, %eq3A_182 : vector<16x128xi1>
      %jit3A_184 = arith.constant 2147483647 : i32
      %broadcast_in_dim3A_185 = vector.broadcast %jit3A_184 : i32 to vector<16x128xi32>
      %select_n3A_186 = arith.select %and3A_183, %broadcast_in_dim3A_185, %concatenate3A_163 : vector<16x128xi1>, vector<16x128xi32>
      %reduce_min3A_187 = arith.constant dense<2147483647> : vector<128xi32>
      %reduce_min3A_188 = vector.multi_reduction <minsi>, %select_n3A_186, %reduce_min3A_187 [0] : vector<16x128xi32> to vector<128xi32>
      %broadcast_in_dim3A_189 = vector.shape_cast %reduce_min3A_188 : vector<128xi32> to vector<1x128xi32>
      %eq3A_190 = vector.broadcast %broadcast_in_dim3A_189 : vector<1x128xi32> to vector<16x128xi32>
      %eq3A_191 = arith.cmpi eq, %select_n3A_186, %eq3A_190 : vector<16x128xi32>
      %jit3A_192 = arith.constant 2147483647 : i32
      %broadcast_in_dim3A_193 = vector.broadcast %jit3A_192 : i32 to vector<16x128xi32>
      %select_n3A_194 = arith.select %eq3A_191, %concatenate3A_167, %broadcast_in_dim3A_193 : vector<16x128xi1>, vector<16x128xi32>
      %reduce_min3A_195 = arith.constant dense<2147483647> : vector<128xi32>
      %reduce_min3A_196 = vector.multi_reduction <minsi>, %select_n3A_194, %reduce_min3A_195 [0] : vector<16x128xi32> to vector<128xi32>
      %broadcast_in_dim3A_197 = vector.shape_cast %reduce_min3A_196 : vector<128xi32> to vector<1x128xi32>
      %eq3A_198 = vector.broadcast %broadcast_in_dim3A_189 : vector<1x128xi32> to vector<16x128xi32>
      %eq3A_199 = arith.cmpi eq, %select_n3A_186, %eq3A_198 : vector<16x128xi32>
      %eq3A_200 = vector.broadcast %broadcast_in_dim3A_197 : vector<1x128xi32> to vector<16x128xi32>
      %eq3A_201 = arith.cmpi eq, %concatenate3A_167, %eq3A_200 : vector<16x128xi32>
      %and3A_202 = arith.andi %eq3A_199, %eq3A_201 : vector<16x128xi1>
      %jit3A_203 = arith.constant 2147483647 : i32
      %broadcast_in_dim3A_204 = vector.broadcast %jit3A_203 : i32 to vector<16x128xi32>
      %select_n3A_205 = arith.select %and3A_202, %broadcast_in_dim3A_204, %select_n3A_186 : vector<16x128xi1>, vector<16x128xi32>
      %reduce_min3A_206 = arith.constant dense<2147483647> : vector<128xi32>
      %reduce_min3A_207 = vector.multi_reduction <minsi>, %select_n3A_205, %reduce_min3A_206 [0] : vector<16x128xi32> to vector<128xi32>
      %broadcast_in_dim3A_208 = vector.shape_cast %reduce_min3A_207 : vector<128xi32> to vector<1x128xi32>
      %eq3A_209 = vector.broadcast %broadcast_in_dim3A_208 : vector<1x128xi32> to vector<16x128xi32>
      %eq3A_210 = arith.cmpi eq, %select_n3A_205, %eq3A_209 : vector<16x128xi32>
      %jit3A_211 = arith.constant 2147483647 : i32
      %broadcast_in_dim3A_212 = vector.broadcast %jit3A_211 : i32 to vector<16x128xi32>
      %select_n3A_213 = arith.select %eq3A_210, %concatenate3A_167, %broadcast_in_dim3A_212 : vector<16x128xi1>, vector<16x128xi32>
      %reduce_min3A_214 = arith.constant dense<2147483647> : vector<128xi32>
      %reduce_min3A_215 = vector.multi_reduction <minsi>, %select_n3A_213, %reduce_min3A_214 [0] : vector<16x128xi32> to vector<128xi32>
      %broadcast_in_dim3A_216 = vector.shape_cast %reduce_min3A_215 : vector<128xi32> to vector<1x128xi32>
      %eq3A_217 = vector.broadcast %broadcast_in_dim3A_208 : vector<1x128xi32> to vector<16x128xi32>
      %eq3A_218 = arith.cmpi eq, %select_n3A_205, %eq3A_217 : vector<16x128xi32>
      %eq3A_219 = vector.broadcast %broadcast_in_dim3A_216 : vector<1x128xi32> to vector<16x128xi32>
      %eq3A_220 = arith.cmpi eq, %concatenate3A_167, %eq3A_219 : vector<16x128xi32>
      %and3A_221 = arith.andi %eq3A_218, %eq3A_220 : vector<16x128xi1>
      %jit3A_222 = arith.constant 2147483647 : i32
      %broadcast_in_dim3A_223 = vector.broadcast %jit3A_222 : i32 to vector<16x128xi32>
      %select_n3A_224 = arith.select %and3A_221, %broadcast_in_dim3A_223, %select_n3A_205 : vector<16x128xi1>, vector<16x128xi32>
      %reduce_min3A_225 = arith.constant dense<2147483647> : vector<128xi32>
      %reduce_min3A_226 = vector.multi_reduction <minsi>, %select_n3A_224, %reduce_min3A_225 [0] : vector<16x128xi32> to vector<128xi32>
      %broadcast_in_dim3A_227 = vector.shape_cast %reduce_min3A_226 : vector<128xi32> to vector<1x128xi32>
      %eq3A_228 = vector.broadcast %broadcast_in_dim3A_227 : vector<1x128xi32> to vector<16x128xi32>
      %eq3A_229 = arith.cmpi eq, %select_n3A_224, %eq3A_228 : vector<16x128xi32>
      %jit3A_230 = arith.constant 2147483647 : i32
      %broadcast_in_dim3A_231 = vector.broadcast %jit3A_230 : i32 to vector<16x128xi32>
      %select_n3A_232 = arith.select %eq3A_229, %concatenate3A_167, %broadcast_in_dim3A_231 : vector<16x128xi1>, vector<16x128xi32>
      %reduce_min3A_233 = arith.constant dense<2147483647> : vector<128xi32>
      %reduce_min3A_234 = vector.multi_reduction <minsi>, %select_n3A_232, %reduce_min3A_233 [0] : vector<16x128xi32> to vector<128xi32>
      %broadcast_in_dim3A_235 = vector.shape_cast %reduce_min3A_234 : vector<128xi32> to vector<1x128xi32>
      %eq3A_236 = vector.broadcast %broadcast_in_dim3A_227 : vector<1x128xi32> to vector<16x128xi32>
      %eq3A_237 = arith.cmpi eq, %select_n3A_224, %eq3A_236 : vector<16x128xi32>
      %eq3A_238 = vector.broadcast %broadcast_in_dim3A_235 : vector<1x128xi32> to vector<16x128xi32>
      %eq3A_239 = arith.cmpi eq, %concatenate3A_167, %eq3A_238 : vector<16x128xi32>
      %and3A_240 = arith.andi %eq3A_237, %eq3A_239 : vector<16x128xi1>
      %jit3A_241 = arith.constant 2147483647 : i32
      %broadcast_in_dim3A_242 = vector.broadcast %jit3A_241 : i32 to vector<16x128xi32>
      %select_n3A_243 = arith.select %and3A_240, %broadcast_in_dim3A_242, %select_n3A_224 : vector<16x128xi1>, vector<16x128xi32>
      %reduce_min3A_244 = arith.constant dense<2147483647> : vector<128xi32>
      %reduce_min3A_245 = vector.multi_reduction <minsi>, %select_n3A_243, %reduce_min3A_244 [0] : vector<16x128xi32> to vector<128xi32>
      %broadcast_in_dim3A_246 = vector.shape_cast %reduce_min3A_245 : vector<128xi32> to vector<1x128xi32>
      %eq3A_247 = vector.broadcast %broadcast_in_dim3A_246 : vector<1x128xi32> to vector<16x128xi32>
      %eq3A_248 = arith.cmpi eq, %select_n3A_243, %eq3A_247 : vector<16x128xi32>
      %jit3A_249 = arith.constant 2147483647 : i32
      %broadcast_in_dim3A_250 = vector.broadcast %jit3A_249 : i32 to vector<16x128xi32>
      %select_n3A_251 = arith.select %eq3A_248, %concatenate3A_167, %broadcast_in_dim3A_250 : vector<16x128xi1>, vector<16x128xi32>
      %reduce_min3A_252 = arith.constant dense<2147483647> : vector<128xi32>
      %reduce_min3A_253 = vector.multi_reduction <minsi>, %select_n3A_251, %reduce_min3A_252 [0] : vector<16x128xi32> to vector<128xi32>
      %broadcast_in_dim3A_254 = vector.shape_cast %reduce_min3A_253 : vector<128xi32> to vector<1x128xi32>
      %eq3A_255 = vector.broadcast %broadcast_in_dim3A_246 : vector<1x128xi32> to vector<16x128xi32>
      %eq3A_256 = arith.cmpi eq, %select_n3A_243, %eq3A_255 : vector<16x128xi32>
      %eq3A_257 = vector.broadcast %broadcast_in_dim3A_254 : vector<1x128xi32> to vector<16x128xi32>
      %eq3A_258 = arith.cmpi eq, %concatenate3A_167, %eq3A_257 : vector<16x128xi32>
      %and3A_259 = arith.andi %eq3A_256, %eq3A_258 : vector<16x128xi1>
      %jit3A_260 = arith.constant 2147483647 : i32
      %broadcast_in_dim3A_261 = vector.broadcast %jit3A_260 : i32 to vector<16x128xi32>
      %select_n3A_262 = arith.select %and3A_259, %broadcast_in_dim3A_261, %select_n3A_243 : vector<16x128xi1>, vector<16x128xi32>
      %reduce_min3A_263 = arith.constant dense<2147483647> : vector<128xi32>
      %reduce_min3A_264 = vector.multi_reduction <minsi>, %select_n3A_262, %reduce_min3A_263 [0] : vector<16x128xi32> to vector<128xi32>
      %broadcast_in_dim3A_265 = vector.shape_cast %reduce_min3A_264 : vector<128xi32> to vector<1x128xi32>
      %eq3A_266 = vector.broadcast %broadcast_in_dim3A_265 : vector<1x128xi32> to vector<16x128xi32>
      %eq3A_267 = arith.cmpi eq, %select_n3A_262, %eq3A_266 : vector<16x128xi32>
      %jit3A_268 = arith.constant 2147483647 : i32
      %broadcast_in_dim3A_269 = vector.broadcast %jit3A_268 : i32 to vector<16x128xi32>
      %select_n3A_270 = arith.select %eq3A_267, %concatenate3A_167, %broadcast_in_dim3A_269 : vector<16x128xi1>, vector<16x128xi32>
      %reduce_min3A_271 = arith.constant dense<2147483647> : vector<128xi32>
      %reduce_min3A_272 = vector.multi_reduction <minsi>, %select_n3A_270, %reduce_min3A_271 [0] : vector<16x128xi32> to vector<128xi32>
      %broadcast_in_dim3A_273 = vector.shape_cast %reduce_min3A_272 : vector<128xi32> to vector<1x128xi32>
      %eq3A_274 = vector.broadcast %broadcast_in_dim3A_265 : vector<1x128xi32> to vector<16x128xi32>
      %eq3A_275 = arith.cmpi eq, %select_n3A_262, %eq3A_274 : vector<16x128xi32>
      %eq3A_276 = vector.broadcast %broadcast_in_dim3A_273 : vector<1x128xi32> to vector<16x128xi32>
      %eq3A_277 = arith.cmpi eq, %concatenate3A_167, %eq3A_276 : vector<16x128xi32>
      %and3A_278 = arith.andi %eq3A_275, %eq3A_277 : vector<16x128xi1>
      %jit3A_279 = arith.constant 2147483647 : i32
      %broadcast_in_dim3A_280 = vector.broadcast %jit3A_279 : i32 to vector<16x128xi32>
      %select_n3A_281 = arith.select %and3A_278, %broadcast_in_dim3A_280, %select_n3A_262 : vector<16x128xi1>, vector<16x128xi32>
      %reduce_min3A_282 = arith.constant dense<2147483647> : vector<128xi32>
      %reduce_min3A_283 = vector.multi_reduction <minsi>, %select_n3A_281, %reduce_min3A_282 [0] : vector<16x128xi32> to vector<128xi32>
      %broadcast_in_dim3A_284 = vector.shape_cast %reduce_min3A_283 : vector<128xi32> to vector<1x128xi32>
      %eq3A_285 = vector.broadcast %broadcast_in_dim3A_284 : vector<1x128xi32> to vector<16x128xi32>
      %eq3A_286 = arith.cmpi eq, %select_n3A_281, %eq3A_285 : vector<16x128xi32>
      %jit3A_287 = arith.constant 2147483647 : i32
      %broadcast_in_dim3A_288 = vector.broadcast %jit3A_287 : i32 to vector<16x128xi32>
      %select_n3A_289 = arith.select %eq3A_286, %concatenate3A_167, %broadcast_in_dim3A_288 : vector<16x128xi1>, vector<16x128xi32>
      %reduce_min3A_290 = arith.constant dense<2147483647> : vector<128xi32>
      %reduce_min3A_291 = vector.multi_reduction <minsi>, %select_n3A_289, %reduce_min3A_290 [0] : vector<16x128xi32> to vector<128xi32>
      %broadcast_in_dim3A_292 = vector.shape_cast %reduce_min3A_291 : vector<128xi32> to vector<1x128xi32>
      %eq3A_293 = vector.broadcast %broadcast_in_dim3A_284 : vector<1x128xi32> to vector<16x128xi32>
      %eq3A_294 = arith.cmpi eq, %select_n3A_281, %eq3A_293 : vector<16x128xi32>
      %eq3A_295 = vector.broadcast %broadcast_in_dim3A_292 : vector<1x128xi32> to vector<16x128xi32>
      %eq3A_296 = arith.cmpi eq, %concatenate3A_167, %eq3A_295 : vector<16x128xi32>
      %and3A_297 = arith.andi %eq3A_294, %eq3A_296 : vector<16x128xi1>
      %jit3A_298 = arith.constant 2147483647 : i32
      %broadcast_in_dim3A_299 = vector.broadcast %jit3A_298 : i32 to vector<16x128xi32>
      %select_n3A_300 = arith.select %and3A_297, %broadcast_in_dim3A_299, %select_n3A_281 : vector<16x128xi1>, vector<16x128xi32>
      %reduce_min3A_301 = arith.constant dense<2147483647> : vector<128xi32>
      %reduce_min3A_302 = vector.multi_reduction <minsi>, %select_n3A_300, %reduce_min3A_301 [0] : vector<16x128xi32> to vector<128xi32>
      %broadcast_in_dim3A_303 = vector.shape_cast %reduce_min3A_302 : vector<128xi32> to vector<1x128xi32>
      %eq3A_304 = vector.broadcast %broadcast_in_dim3A_303 : vector<1x128xi32> to vector<16x128xi32>
      %eq3A_305 = arith.cmpi eq, %select_n3A_300, %eq3A_304 : vector<16x128xi32>
      %jit3A_306 = arith.constant 2147483647 : i32
      %broadcast_in_dim3A_307 = vector.broadcast %jit3A_306 : i32 to vector<16x128xi32>
      %select_n3A_308 = arith.select %eq3A_305, %concatenate3A_167, %broadcast_in_dim3A_307 : vector<16x128xi1>, vector<16x128xi32>
      %reduce_min3A_309 = arith.constant dense<2147483647> : vector<128xi32>
      %reduce_min3A_310 = vector.multi_reduction <minsi>, %select_n3A_308, %reduce_min3A_309 [0] : vector<16x128xi32> to vector<128xi32>
      %broadcast_in_dim3A_311 = vector.shape_cast %reduce_min3A_310 : vector<128xi32> to vector<1x128xi32>
      %concatenate3A_312 = tpu.concatenate %broadcast_in_dim3A_170, %broadcast_in_dim3A_189, %broadcast_in_dim3A_208, %broadcast_in_dim3A_227, %broadcast_in_dim3A_246, %broadcast_in_dim3A_265, %broadcast_in_dim3A_284, %broadcast_in_dim3A_303 in 0 : vector<1x128xi32>, vector<1x128xi32>, vector<1x128xi32>, vector<1x128xi32>, vector<1x128xi32>, vector<1x128xi32>, vector<1x128xi32>, vector<1x128xi32> -> vector<8x128xi32>
      %swap3A = arith.constant 0 : index
      %swap3A_313 = arith.constant 0 : index
      %swap3A_314 = vector.load %arg6[%swap3A, %swap3A_313] : memref<8x128xi32, #tpu.memory_space<vmem>>, vector<8x128xi32>
      tpu.vector_store %arg6[%swap3A, %swap3A_313], %concatenate3A_312 {strides = array<i32>} : memref<8x128xi32, #tpu.memory_space<vmem>>, vector<8x128xi32>,
      %concatenate3A_315 = tpu.concatenate %broadcast_in_dim3A_178, %broadcast_in_dim3A_197, %broadcast_in_dim3A_216, %broadcast_in_dim3A_235, %broadcast_in_dim3A_254, %broadcast_in_dim3A_273, %broadcast_in_dim3A_292, %broadcast_in_dim3A_311 in 0 : vector<1x128xi32>, vector<1x128xi32>, vector<1x128xi32>, vector<1x128xi32>, vector<1x128xi32>, vector<1x128xi32>, vector<1x128xi32>, vector<1x128xi32> -> vector<8x128xi32>
      %swap3A_316 = arith.constant 0 : index
      %swap3A_317 = arith.constant 0 : index
      %swap3A_318 = vector.load %arg5[%swap3A_316, %swap3A_317] : memref<8x128xi32, #tpu.memory_space<vmem>>, vector<8x128xi32>
      tpu.vector_store %arg5[%swap3A_316, %swap3A_317], %concatenate3A_315 {strides = array<i32>} : memref<8x128xi32, #tpu.memory_space<vmem>>, vector<8x128xi32>,
    } else {
    }
    %eq3A_155 = arith.constant 24 : i32
    %eq3A_156 = arith.cmpi eq, %arg0, %eq3A_155 : i32
    %convert_element_type3A_157 = arith.extui %eq3A_156 : i1 to i32
    %cond3A_158 = arith.constant 0 : i32
    %cond3A_159 = arith.cmpi ne, %convert_element_type3A_157, %cond3A_158 : i32
    scf.if %cond3A_159 {
      %get3A_160 = arith.constant 0 : index
      %get3A_161 = arith.constant 0 : index
      %get3A_162 = vector.load %arg6[%get3A_160, %get3A_161] : memref<8x128xi32, #tpu.memory_space<vmem>>, vector<8x128xi32>
      %and3A_163 = arith.constant -4096 : i32
      %and3A_164 = vector.broadcast %and3A_163 : i32 to vector<8x128xi32>
      %and3A_165 = arith.andi %get3A_162, %and3A_164 : vector<8x128xi32>
      %bitcast_convert_type3A_166 = tpu.bitcast %and3A_165 : vector<8x128xi32> -> vector<8x128xf32>
      %swap3A = arith.constant 0 : index
      %swap3A_167 = arith.constant 0 : index
      %swap3A_168 = vector.load %arg4[%swap3A, %swap3A_167] : memref<8x128xf32, #tpu.memory_space<vmem>>, vector<8x128xf32>
      tpu.vector_store %arg4[%swap3A, %swap3A_167], %bitcast_convert_type3A_166 {strides = array<i32>} : memref<8x128xf32, #tpu.memory_space<vmem>>, vector<8x128xf32>,
    } else {
    }
    return
  }
  func.func @transform_0(%arg0: i32) -> (i32, i32) {
    %c0_i32 = arith.constant 0 : i32
    %c0_i32_0 = arith.constant 0 : i32
    %c0_i32_1 = arith.constant 0 : i32
    return %c0_i32, %c0_i32_0 : i32, i32
  }
  func.func @transform_1(%arg0: i32) -> (i32, i32) {
    %c0_i32 = arith.constant 0 : i32
    %c0_i32_0 = arith.constant 0 : i32
    %c0_i32_1 = arith.constant 0 : i32
    return %c0_i32, %c0_i32_0 : i32, i32
  }
  func.func @transform_2(%arg0: i32) -> (i32, i32) {
    %c0_i32 = arith.constant 0 : i32
    %c0_i32_0 = arith.constant 0 : i32
    return %arg0, %c0_i32 : i32, i32
  }
  func.func @transform_3(%arg0: i32) -> (i32, i32) {
    %c0_i32 = arith.constant 0 : i32
    %c0_i32_0 = arith.constant 0 : i32
    %c0_i32_1 = arith.constant 0 : i32
    return %c0_i32, %c0_i32_0 : i32, i32
  }
  func.func @transform_4(%arg0: i32) -> (i32, i32) {
    %c0_i32 = arith.constant 0 : i32
    %c0_i32_0 = arith.constant 0 : i32
    %c0_i32_1 = arith.constant 0 : i32
    return %c0_i32, %c0_i32_0 : i32, i32
  }
}

module attributes {stable_mosaic.version = 14 : i64} {
  func.func @_mix_body(%arg0: i32, %arg1: memref<32x32000xf32, #tpu.memory_space<vmem>>, %arg2: memref<32x32000xf32, #tpu.memory_space<vmem>>, %arg3: memref<32x32000xf32, #tpu.memory_space<vmem>>) attributes {dimension_semantics = [#tpu.dimension_semantics<arbitrary>], iteration_bounds = array<i64: 4>, scalar_prefetch = 0 : i64, scratch_operands = 0 : i64, tpu.core_type = #tpu.core_type<tc>, window_params = [{transform_indices = @transform_0, window_bounds = array<i64: 32, 32000>}, {transform_indices = @transform_1, window_bounds = array<i64: 32, 32000>}, {transform_indices = @transform_2, window_bounds = array<i64: 32, 32000>}]} {
    %get3A = arith.constant 0 : index
    %get3A_0 = arith.constant 0 : index
    %get3A_1 = vector.load %arg1[%get3A, %get3A_0] : memref<32x32000xf32, #tpu.memory_space<vmem>>, vector<32x32000xf32>
    %reduce_max3A = arith.constant dense<0xFF800000> : vector<32xf32>
    %reduce_max3A_2 = vector.multi_reduction <maximumf>, %get3A_1, %reduce_max3A [1] : vector<32x32000xf32> to vector<32xf32>
    %broadcast_in_dim3A = vector.shape_cast %reduce_max3A_2 : vector<32xf32> to vector<32x1xf32>
    %sub3A = vector.broadcast %broadcast_in_dim3A : vector<32x1xf32> to vector<32x32000xf32>
    %sub3A_3 = arith.subf %get3A_1, %sub3A : vector<32x32000xf32>
    %exp3A = math.exp %sub3A_3 : vector<32x32000xf32>
    %reduce_sum3A = arith.constant dense<0.000000e+00> : vector<32xf32>
    %reduce_sum3A_4 = vector.multi_reduction <add>, %exp3A, %reduce_sum3A [1] : vector<32x32000xf32> to vector<32xf32>
    %broadcast_in_dim3A_5 = vector.shape_cast %reduce_sum3A_4 : vector<32xf32> to vector<32x1xf32>
    %div3A = vector.broadcast %broadcast_in_dim3A_5 : vector<32x1xf32> to vector<32x32000xf32>
    %div3A_6 = arith.divf %exp3A, %div3A : vector<32x32000xf32>
    %mul3A = arith.constant 7.500000e-01 : f32
    %mul3A_7 = vector.broadcast %mul3A : f32 to vector<32x32000xf32>
    %mul3A_8 = arith.mulf %mul3A_7, %div3A_6 : vector<32x32000xf32>
    %get3A_9 = arith.constant 0 : index
    %get3A_10 = arith.constant 0 : index
    %get3A_11 = vector.load %arg2[%get3A_9, %get3A_10] : memref<32x32000xf32, #tpu.memory_space<vmem>>, vector<32x32000xf32>
    %mul3A_12 = arith.constant 2.500000e-01 : f32
    %mul3A_13 = vector.broadcast %mul3A_12 : f32 to vector<32x32000xf32>
    %mul3A_14 = arith.mulf %mul3A_13, %get3A_11 : vector<32x32000xf32>
    %add3A = arith.addf %mul3A_8, %mul3A_14 : vector<32x32000xf32>
    %log3A = math.log %add3A : vector<32x32000xf32>
    %swap3A = arith.constant 0 : index
    %swap3A_15 = arith.constant 0 : index
    %swap3A_16 = vector.load %arg3[%swap3A, %swap3A_15] : memref<32x32000xf32, #tpu.memory_space<vmem>>, vector<32x32000xf32>
    tpu.vector_store %arg3[%swap3A, %swap3A_15], %log3A {strides = array<i32>} : memref<32x32000xf32, #tpu.memory_space<vmem>>, vector<32x32000xf32>,
    return
  }
  func.func @transform_0(%arg0: i32) -> (i32, i32) {
    %c0_i32 = arith.constant 0 : i32
    %c0_i32_0 = arith.constant 0 : i32
    return %arg0, %c0_i32 : i32, i32
  }
  func.func @transform_1(%arg0: i32) -> (i32, i32) {
    %c0_i32 = arith.constant 0 : i32
    %c0_i32_0 = arith.constant 0 : i32
    return %arg0, %c0_i32 : i32, i32
  }
  func.func @transform_2(%arg0: i32) -> (i32, i32) {
    %c0_i32 = arith.constant 0 : i32
    %c0_i32_0 = arith.constant 0 : i32
    return %arg0, %c0_i32 : i32, i32
  }
}

</mosaic_0001>

<sc_bundles>
// kernel: kernel.5.cloned.1.call-start
scs
__scs_entry_jumppad:
0x0: {  	(pc) =	sbr.rel $0x88, $3  }
0x1: {  	(tag) =	ssettag $0x0;
	lr =	simm.s32 $0x1  }
0x2: {  	[smem:$0x3F9D] =	sst lr;
	_ =	strace $0xD0000000  }
0x3: {  	_ = 	snop  }
0x4: {  	_ = 	snop  }
0x5: {  	_ = 	snop  }
0x6: {  	_ = 	snop  }
0x7: {  	_ = 	snop  }
__scs_overlays_trampoline_lowered:
0x8: {  	[smem:$0x3FAC] =	sst s0  }
0x9: {  	[smem:$0x3FAD] =	sst s1  }
0xa: {  	[smem:$0x3FAE] =	sst s2  }
0xb: {  	[smem:$0x3FAF] =	sst s3  }
0xc: {  	[smem:$0x3FB0] =	sst s4  }
0xd: {  	[smem:$0x3FB1] =	sst s5  }
0xe: {  	[smem:$0x3FB2] =	sst s6  }
0xf: {  	[smem:$0x3FB3] =	sst s7  }
0x10: {  	[smem:$0x3FB4] =	sst s8  }
0x11: {  	[smem:$0x3FB5] =	sst s9;
	s0 =	simm.s32 @!p0 $0x0  }
0x12: {  	s1 =	sld [smem:$0x3F9B];
	s0 =	simm.s32 @p0 $0x1  }
0x13: {  	[smem:$0x3FB6] =	sst s0;
	s0 =	simm.s32 @!p1 $0x0  }
0x14: {  	s2 =	sld [smem:$0x3F9A];
	s0 =	simm.s32 @p1 $0x1  }
0x15: {  	[smem:$0x3FB7] =	sst s0;
	s0 =	simm.s32 @!p2 $0x0  }
0x16: {  	s3 =	sld [smem:$0x3FDB];
	s0 =	simm.s32 @p2 $0x1  }
0x17: {  	s4 =	simm.s32 $0x1BF5;
	[smem:$0x3FB9] =	sst s0  }
0x18: {  	s0 =	sld [smem:$0x3F9C];
	_ =	swait.ge [sflag:s4], $0x0  }
0x19: {  	s7 =	sld [smem:$0x3F9D]  }
0x1a: {  	s8 =	sadd.s32 $0xFFFFE003, lr  }
0x1b: {  	s9 =	sadd.s32 $0xFFFFFEF7, lr;
	s5 =	simm.s32 $0xFFFFFFFF;
	p2 =	slt.u32 s8, $0xFFFFF086  }
0x1c: {  	p1 =	slt.u32 s9, $0xF7A;
	s5 =	simm.s32 @!p2 $0x0  }
0x1d: {  	s5 =	simm.s32 @p1 $0x1;
	p0 =	seq.s32 s7, s2  }
0x1e: {  	s7 =	smul.u32 @!p0 $0xF7A, s2;
	p2 =	seq.s32 @!p0 s5, $0x0  }
0x1f: {  	s9 =	smul.u32 $0xF7A, s1;
	s8 =	simm.s32 @!p0 $0x1BF5;
	p2 =	por !p2, p0  }
0x20: {  	[sflag:s8] =	ssyncset.s32 @!p0 $0xFFFFF086;
	s6 =	sadd.s32 @!p0 s3, s7;
	s7 =	simm.s32 @!p0 $0x108  }
0x21: {  	s3 =	sadd.s32 s3, s9;
	s6 =	sadd.s32 @!p0 $0x88, s6;
	s7 =	simm.s32 @p2 $0x1082  }
0x22: {  	[simem:s7], [sflag:s8] =	dma.local @!p0 [hbm:s6], $0xF7A  }
0x23: {  	s9 =	sor.u32 $0xD0000000, s2;
	s6 =	simm.s32 $0x108;
	_ =	swait.ge @!p0 [sflag:s8], $0x0  }
0x24: {  	s3 =	sadd.s32 $0x88, s3;
	s6 =	simm.s32 @!p1 $0x1082;
	[sflag:s4] =	ssyncset.s32 $0xFFFFF086  }
0x25: {  	[simem:s6], [sflag:s4] =	dma.local [hbm:s3], $0xF7A  }
0x26: {  	[smem:$0x3F9D] =	sst s1;
	(tag) =	ssettag s2;
	_ =	strace s9  }
0x27: {  	s1 =	sld [smem:$0x3FAD]  }
0x28: {  	s2 =	sld [smem:$0x3FAE]  }
0x29: {  	s4 =	sld [smem:$0x3FB0]  }
0x2a: {  	p0 =	seq.s32 s5, $0x0;
	s5 =	sld [smem:$0x3FB1]  }
0x2b: {  	s6 =	sld [smem:$0x3FB2]  }
0x2c: {  	s7 =	sld [smem:$0x3FB3]  }
0x2d: {  	s3 =	simm.s32 $0x108;
	s8 =	sld [smem:$0x3FB4]  }
0x2e: {  	s3 =	simm.s32 @!p0 $0x1082;
	s9 =	sld [smem:$0x3FB5]  }
0x2f: {  	lr =	sadd.s32 s0, s3;
	s0 =	sld [smem:$0x3FAC]  }
0x30: {  	s3 =	sld [smem:$0x3FAF]  }
0x31: {  	[smem:$0x3FB8] =	sst s10  }
0x32: {  	s10 =	sld [smem:$0x3FB6];
	_ =	sdelay $0x3  }
0x33: {  	p0 =	seq.s32 s10, $0x1;
	s10 =	sld [smem:$0x3FB8];
	_ =	sdelay $0x3  }
0x34: {  	[smem:$0x3FB8] =	sst s10  }
0x35: {  	s10 =	sld [smem:$0x3FB7];
	_ =	sdelay $0x3  }
0x36: {  	p1 =	seq.s32 s10, $0x1;
	s10 =	sld [smem:$0x3FB8];
	_ =	sdelay $0x3  }
0x37: {  	[smem:$0x3FB8] =	sst s10  }
0x38: {  	s10 =	sld [smem:$0x3FB9]  }
0x39: {  	_ = 	snop;
	(pc) =	sbr.ind lr, $3  }
0x3a: {  	_ = 	snop  }
0x3b: {  	_ = 	snop  }
0x3c: {  	p2 =	seq.s32 s10, $0x1;
	s10 =	sld [smem:$0x3FB8]  }
0x3d: {  	_ =	shalt  }
0x3e: {  	_ =	shalt  }
0x3f: {  	_ =	shalt  }
0x40: {  	_ =	shalt  }
0x41: {  	_ =	shalt  }
0x42: {  	_ =	shalt  }
0x43: {  	_ =	shalt  }
0x44: {  	_ =	shalt  }
0x45: {  	_ =	shalt  }
0x46: {  	_ =	shalt  }
0x47: {  	_ =	shalt  }
0x48: {  	_ =	shalt  }
0x49: {  	_ =	shalt  }
0x4a: {  	_ =	shalt  }
0x4b: {  	_ =	shalt  }
0x4c: {  	_ =	shalt  }
0x4d: {  	_ =	shalt  }
0x4e: {  	_ =	shalt  }
0x4f: {  	_ =	shalt  }
0x50: {  	_ =	shalt  }
0x51: {  	_ =	shalt  }
0x52: {  	_ =	shalt  }
0x53: {  	_ =	shalt  }
0x54: {  	_ =	shalt  }
0x55: {  	_ =	shalt  }
0x56: {  	_ =	shalt  }
0x57: {  	_ =	shalt  }
0x58: {  	_ =	shalt  }
0x59: {  	_ =	shalt  }
0x5a: {  	_ =	shalt  }
0x5b: {  	_ =	shalt  }
0x5c: {  	_ =	shalt  }
0x5d: {  	_ =	shalt  }
0x5e: {  	_ =	shalt  }
0x5f: {  	_ =	shalt  }
0x60: {  	_ =	shalt  }
0x61: {  	_ =	shalt  }
0x62: {  	_ =	shalt  }
0x63: {  	_ =	shalt  }
0x64: {  	_ =	shalt  }
0x65: {  	_ =	shalt  }
0x66: {  	_ =	shalt  }
0x67: {  	_ =	shalt  }
0x68: {  	_ =	shalt  }
0x69: {  	_ =	shalt  }
0x6a: {  	_ =	shalt  }
0x6b: {  	_ =	shalt  }
0x6c: {  	_ =	shalt  }
0x6d: {  	_ =	shalt  }
0x6e: {  	_ =	shalt  }
0x6f: {  	_ =	shalt  }
0x70: {  	_ =	shalt  }
0x71: {  	_ =	shalt  }
0x72: {  	_ =	shalt  }
0x73: {  	_ =	shalt  }
0x74: {  	_ =	shalt  }
0x75: {  	_ =	shalt  }
0x76: {  	_ =	shalt  }
0x77: {  	_ =	shalt  }
0x78: {  	_ =	shalt  }
0x79: {  	_ =	shalt  }
0x7a: {  	_ =	shalt  }
0x7b: {  	_ =	shalt  }
0x7c: {  	_ =	shalt  }
0x7d: {  	_ =	shalt  }
0x7e: {  	_ =	shalt  }
0x7f: {  	_ =	shalt  }
0x80: {  	_ =	shalt  }
0x81: {  	_ =	shalt  }
0x82: {  	_ =	shalt  }
0x83: {  	_ =	shalt  }
0x84: {  	_ =	shalt  }
0x85: {  	_ =	shalt  }
0x86: {  	_ =	shalt  }
0x87: {  	_ =	shalt  }
.Lfunc_end0:
.L_simem_size_0:
called_computation_lowered:
.L_overlay_start_0:
0x88: {  	s2 =	sld [smem:$0x3FD9]  }
0x89: {  	s3 =	sld [smem:$0x3FFE];
	_ =	sdelay $0x1  }
0x8a: {  	s1 =	srdreg.scid  }
0x8b: {  	s0 =	sand.u32 $0x1, s1  }
0x8c: {  	s17 =	sshll.u32 s0, $0xA;
	s2 =	sadd.s32 s3, s2  }
0x8d: {  	s2 =	sadd.s32 s2, s17  }
0x8e: {  	[smem:$0x3FC4] =	sst s2  }
0x8f: {  	_ = 	snop  }
0x90: {  	s2 =	sld [smem:$0x3FC6]  }
0x91: {  	s18 =	sld [smem:$0x3FD0];
	(tm) =	ssettm $0x1  }
0x92: {  	s4 =	sld [smem:$0x3FFB];
	_ =	sdelay $0x3  }
0x93: {  	_ =	strace s4  }
0x94: {  	s4 =	sld [smem:$0x3FFC];
	_ =	sdelay $0x3  }
0x95: {  	_ =	strace s4  }
0x96: {  	s4 =	sld [smem:$0x3FFD];
	_ =	sdelay $0x3  }
0x97: {  	_ =	strace s4  }
0x98: {  	_ =	strace $0x8FFFFFFF  }
0x99: {  	s19 =	sld [smem:$0x3FDB];
	_ =	sdelay $0x1  }
0x9a: {  	s5 =	simm.s32 $_scs_section_size  }
0x9b: {  	s6 =	simm.s32 $_size__tile_overlayer_lowered;
	s7 =	simm.s32 $_tile_overlayer_lowered  }
0x9c: {  	s22 =	simm.s32 $0x1BFF;
	s21 =	sshll.u32 s7, $0x1;
	s4 =	sadd.s32 s5, s19  }
0x9d: {  	s8 =	simm.s32 $0x0;
	s20 =	sshll.u32 s6, $0x1;
	s6 =	sadd.s32 s21, s4  }
0x9e: {  	[timem:s8], [sflag:s22] =	dma.local [hbm:s6], s20  }
0x9f: {  	_ =	swait.ge [sflag:s22], s20  }
0xa0: {  	s5 =	ssub.s32 $0x0, s20;
	[sflag:s22] =	ssyncset.done $0x0  }
0xa1: {  	[sflag:s22] =	ssyncadd.s32 s5;
	_ =	sdelay $0x1  }
0xa2: {  	s23 =	simm.s32 $0x1B8B  }
0xa3: {  	_ =	swait.ge [sflag:s23], $0x1  }
0xa4: {  	[sflag:s23] =	ssyncset.done $0x0  }
0xa5: {  	s25 =	simm.s32 $0x1B8E;
	s24 =	sld [smem:$0x3FFE];
	[sflag:s23] =	ssyncadd.s32 $0xFFFFFFFF  }
0xa6: {  	s26 =	simm.s32 $execute0_lowered;
	[smem:$0x3FD2] =	sst s25  }
0xa7: {  	s6 =	sshll.u32 s26, $0x1;
	_ =	strace $0x80000046;
	[dreg:$0x1] =	wrdreg $0xFFFFFFFF  }
0xa8: {  	s28 =	simm.s32 $_size_execute0_lowered;
	s4 =	sadd.s32 s4, s6;
	[dreg:$0x0] =	wrdreg $0x0  }
0xa9: {  	s6 =	sshll.u32 s28, $0x1;
	[dreg:$0x2] =	wrdreg s4  }
0xaa: {  	[dreg:$0x3] =	wrdreg s6  }
0xab: {  	[dreg:$0x4] =	wrdreg $0xC0  }
0xac: {  	_ =	task [dreg:s8], $0x5FFFF  }
0xad: {  	[dreg:$0x1] =	wrdreg $0xFFFFFFFF  }
0xae: {  	[dreg:$0x0] =	wrdreg $0x60  }
0xaf: {  	[dreg:$0x2] =	wrdreg s24  }
0xb0: {  	[dreg:$0x3] =	wrdreg s2  }
0xb1: {  	[dreg:$0x4] =	wrdreg s18  }
0xb2: {  	[dreg:$0x5] =	wrdreg $0x9  }
0xb3: {  	_ =	task.clear_ibuf [dreg:s8], $0x6FFFF;
	_ =	strace $0x90000046  }
0xb4: {  	s29 =	simm.s32 $0x9;
	_ =	strace $0x80000048  }
0xb5: {  	_ =	swait.ge [sflag:s29], $0x1  }
0xb6: {  	[sflag:s29] =	ssyncadd.s32 $0xFFFFFFFF  }
0xb7: {  	_ =	strace $0x90000048  }
0xb8: {  	_ =	sfence  }
0xb9: {  	s30 =	sld [smem:$0x0];
	_ =	sdelay $0x2  }
0xba: {  	s31 =	sshll.u32 s1, $0xD;
	s1 =	sshrl.u32 s1, $0x2  }
0xbb: {  	s3 =	sand.u32 $0x4000, s31;
	s1 =	sadd.s32 s1, s30  }
0xbc: {  	s0 =	sor.u32 s3, s0;
	s1 =	sshll.u32 s1, $0x11  }
0xbd: {  	s0 =	sor.u32 s1, s0  }
0xbe: {  	s0 =	sadd.s32 $0x8F2B, s0  }
0xbf: {  	[sflag:s0] =	ssyncadd.remote.s32 $0x1  }
0xc0: {  	_ =	sfence.sel $0xFFFF  }
0xc1: {  	[dreg:$0x0] =	wrdreg $0xFFFFFFFF;
	(pc) =	sbr.abs _section_cstart, $3  }
0xc2: {  	[dreg:$0x1] =	wrdreg $0xFFFFFFFF  }
0xc3: {  	_ =	task.clear_ibuf [dreg:s8], $0x2FFFF;
	_ =	strace $0x9FFFFFFF  }
0xc4: {  	(tm) =	ssettm $0x7FFFFFFF  }
0xc5: {  	_ =	shalt  }
tec
execute0_lowered:
.L_overlay_start_1:
0x0: {  	(tag) =	ssettag $0x1  }
0x1: {  	v1 =	vlaneseq.u32;
	v2 =	vimm.s32 $0xEFCDAB89  }
0x2: {  	v3 =	vimm.s32 $0x67452301;
	v4 =	vimm.s32 $0xDCFE98BA;
	v5 =	vimm.s32 $0x54761032  }
0x3: {  	v6 =	vimm.s32 $0xBA98FEDC;
	v7 =	vimm.s32 $0x32107654;
	v8 =	vimm.s32 $0x8FEDCBA9  }
0x4: {  	v9 =	vimm.s32 $0x7654321;
	v10 =	vimm.s32 $0x21076543;
	v11 =	vimm.s32 $0xCBA98FED  }
0x5: {  	v12 =	vimm.s32 $0x43210765;
	v63 =	vimm.s32 $0x65432107;
	v2 =	vunpack.c.l.s4.s8 v2  }
0x6: {  	s1 =	srdreg.scid;
	s0 =	stileid.u32;
	v3 =	vunpack.c.l.s4.s8 v3;
	v4 =	vunpack.c.l.s4.s8 v4;
	v5 =	vunpack.c.l.s4.s8 v5  }
0x7: {  	s6 =	sand.u32 $0x1, s1;
	s30 =	sshll.u32 s0, $0x1;
	v6 =	vunpack.c.l.s4.s8 v6;
	v7 =	vunpack.c.l.s4.s8 v7;
	v10 =	vunpack.c.l.s4.s8 v10  }
0x8: {  	v11 =	vunpack.c.l.s4.s8 v11;
	v12 =	vunpack.c.l.s4.s8 v12;
	s7 =	sor.u32 s6, s30;
	v2 =	vunpack.c.0.s8.s32 v2  }
0x9: {  	s5 =	sshll.u32 s7, $0x5;
	v3 =	vunpack.c.0.s8.s32 v3;
	v4 =	vunpack.c.0.s8.s32 v4;
	v5 =	vunpack.c.0.s8.s32 v5  }
0xa: {  	v6 =	vunpack.c.0.s8.s32 v6;
	v7 =	vunpack.c.0.s8.s32 v7;
	v0 =	vor.u32 s5, v1  }
0xb: {  	v3 =	vcombine.low v3, v2;
	v2 =	vunpack.c.l.s4.s8 v8;
	v8 =	vunpack.c.l.s4.s8 v9  }
0xc: {  	v4 =	vcombine.low v5, v4;
	v5 =	vcombine.low v7, v6;
	v7 =	vimm.s32 $0x98FEDCBA  }
0xd: {  	v9 =	vimm.s32 $0xA98FEDCB;
	v6 =	vunpack.c.0.s8.s32 v8;
	v8 =	vimm.s32 $0x10765432  }
0xe: {  	v7 =	vunpack.c.l.s4.s8 v7;
	v9 =	vunpack.c.l.s4.s8 v9;
	v8 =	vunpack.c.l.s4.s8 v8  }
0xf: {  	s8 =	rddreg [dreg:$0x0];
	v10 =	vunpack.c.0.s8.s32 v10;
	v0 =	vshrl.u32 v0, $0x3;
	v2 =	vunpack.c.0.s8.s32 v2  }
0x10: {  	s3 =	rddreg [dreg:$0x2];
	v7 =	vunpack.c.0.s8.s32 v7;
	v9 =	vunpack.c.0.s8.s32 v9;
	v8 =	vunpack.c.0.s8.s32 v8  }
0x11: {  	s2 =	rddreg [dreg:$0x3];
	s4 =	simm.s32 $0x0;
	s10 =	sor.u32 $0x10, s5;
	v6 =	vcombine.low v6, v2;
	v2 =	vunpack.c.0.s8.s32 v11;
	v11 =	vunpack.c.0.s8.s32 v12  }
0x12: {  	s16 =	simm.s32 $0x3E80;
	s17 =	simm.s32 $0x2;
	s18 =	simm.s32 $0x20;
	v1 =	vor.u32 s10, v1;
	v12 =	vunpack.c.l.s4.s8 v63;
	v7 =	vcombine.low v8, v7  }
0x13: {  	s19 =	simm.s32 $0x3F00;
	s20 =	simm.s32 $0x3F80;
	s21 =	simm.s32 $0x1;
	v8 =	vcombine.low v10, v9;
	v9 =	vimm.s32 $0xDCBA98FE;
	v10 =	vcombine.low v11, v2  }
0x14: {  	s22 =	simm.s32 $0x4000;
	s23 =	simm.s32 $0x4080;
	s24 =	simm.s32 $0x0;
	v11 =	vimm.s32 $0xEDCBA98F;
	v2 =	vunpack.c.l.s4.s8 v9;
	v9 =	vimm.s32 $0x54321076  }
0x15: {  	[smem:$0x7FF] =	sst s4;
	s9 =	sshll.u32 s7, $0x2;
	s7 =	smul.u32 $0x1F400, s7;
	v1 =	vshrl.u32 v1, $0x3;
	v11 =	vunpack.c.l.s4.s8 v11;
	v9 =	vunpack.c.l.s4.s8 v9  }
0x16: {  	s1 =	rddreg [dreg:$0x1];
	_ =	strace $0x80000047;
	s6 =	ssub.s32 $0x2, s6;
	v0 =	vmul.u32 $0x7D00, v0;
	v1 =	vmul.u32 $0x7D00, v1;
	v12 =	vunpack.c.0.s8.s32 v12  }
0x17: {  	s31 =	sshrl.u32 s6, $0x1;
	s8 =	sadd.s32 s9, s8;
	s7 =	sshrl.u32 s7, $0x3;
	v2 =	vunpack.c.0.s8.s32 v2;
	v11 =	vunpack.c.0.s8.s32 v11;
	v9 =	vunpack.c.0.s8.s32 v9  }
0x18: {  	s15 =	ssub.s32 s6, s31;
	s5 =	sadd.s32 $0x1800, s8;
	s6 =	sadd.s32 s3, s7;
	v3 =	vand.u32 $0xF, v3;
	v4 =	vand.u32 $0xF, v4;
	v5 =	vand.u32 $0xF, v5  }
0x19: {  	s15 =	smax.u32 s15, $0x1;
	s7 =	sadd.s32 $0x1600, s8;
	s8 =	sadd.s32 $0x7D0, s6;
	v6 =	vand.u32 $0xF, v6;
	v11 =	vcombine.low v12, v11;
	v13 =	vcombine.low v9, v2  }
0x1a: {  	s9 =	sadd.s32 $0xFA0, s6;
	s10 =	sadd.s32 $0x1770, s6;
	s11 =	sadd.s32 $0x1F40, s6;
	v7 =	vand.u32 $0xF, v7;
	v8 =	vand.u32 $0xF, v8;
	v2 =	vimm.f32 $0.0e+00  }
0x1b: {  	s12 =	sadd.s32 $0x2710, s6;
	s13 =	sadd.s32 $0x2EE0, s6;
	s14 =	sadd.s32 $0x36B0, s6;
	v9 =	vand.u32 $0xF, v10;
	v11 =	vand.u32 $0xF, v11;
	v10 =	vand.u32 $0xF, v13  }
.LBB2_1:
0x1c: {  	[tilespmem:s16], [sflag:$0x2] =	stream.linear.gather [hbm4b:s5+s4], $0x20, $0x38;
	[tilespmem:$0x4100] =	vst v63  }
0x1d: {  	_ =	swait.ge [sflag:s17], $0x20  }
0x1e: {  	[sflag:s17] =	ssyncset.done $0x0  }
0x1f: {  	[sflag:s17] =	ssyncadd.s32 $0xFFFFFFE0  }
0x20: {  	[tilespmem:s19], [sflag:$0x1] =	stream.indirect.gather [hbm4b:s1+s18], $0x1, s16, s18, $0xb8;
	[tilespmem:$0x4100] =	vst v63  }
0x21: {  	_ = 	snop  }
0x22: {  	[tilespmem:s20], [sflag:$0x2] =	stream.linear.gather [hbm4b:s7+s4], $0x20, $0x38;
	[tilespmem:$0x4100] =	vst v63  }
0x23: {  	_ =	swait.ge [sflag:s17], $0x20  }
0x24: {  	[sflag:s17] =	ssyncset.done $0x0  }
0x25: {  	s25 =	simm.s32 $0x40;
	s26 =	simm.s32 $0x0;
	[sflag:s17] =	ssyncadd.s32 $0xFFFFFFE0  }
.LBB2_2:
0x26: {  	p0 =	sne.s32 s25, $0xF9C0;
	[tilespmem:s26+$0x0] =	vst v2;
	s26 =	smov.u32 s25;
	s25 =	sadd.s32 $0x40, s25  }
.Ltmp0:
0x27: {  	(pc) =	sbr.rel @p0 .LBB2_2-.Ltmp0, $2  }
0x28: {  	_ =	sdelay $0x2  }
0x29: {  	s26 =	sshra.s32 s26, $0x2  }
0x2a: {  	[tilespmem:s26+$0x0] =	vst v2  }
0x2b: {  	[hbm4b:s6+s4] =	stream.linear.scatter [tilespmem:s4], [sflag:$0x2], $0x3E80, $0x38;
	[tilespmem:$0x4100] =	vst v63  }
0x2c: {  	_ =	swait.ge [sflag:s17], $0x3E80  }
0x2d: {  	[sflag:s17] =	ssyncset.done $0x0  }
0x2e: {  	[sflag:s17] =	ssyncadd.s32 $0xFFFFC180  }
0x2f: {  	[hbm4b:s8+s4] =	stream.linear.scatter [tilespmem:s4], [sflag:$0x2], $0x3E80, $0x38;
	[tilespmem:$0x4100] =	vst v63  }
0x30: {  	_ =	swait.ge [sflag:s17], $0x3E80  }
0x31: {  	[sflag:s17] =	ssyncset.done $0x0  }
0x32: {  	[sflag:s17] =	ssyncadd.s32 $0xFFFFC180  }
0x33: {  	[hbm4b:s9+s4] =	stream.linear.scatter [tilespmem:s4], [sflag:$0x2], $0x3E80, $0x38;
	[tilespmem:$0x4100] =	vst v63  }
0x34: {  	_ =	swait.ge [sflag:s17], $0x3E80  }
0x35: {  	[sflag:s17] =	ssyncset.done $0x0  }
0x36: {  	[sflag:s17] =	ssyncadd.s32 $0xFFFFC180  }
0x37: {  	[hbm4b:s10+s4] =	stream.linear.scatter [tilespmem:s4], [sflag:$0x2], $0x3E80, $0x38;
	[tilespmem:$0x4100] =	vst v63  }
0x38: {  	_ =	swait.ge [sflag:s17], $0x3E80  }
0x39: {  	[sflag:s17] =	ssyncset.done $0x0  }
0x3a: {  	[sflag:s17] =	ssyncadd.s32 $0xFFFFC180  }
0x3b: {  	[hbm4b:s11+s4] =	stream.linear.scatter [tilespmem:s4], [sflag:$0x2], $0x3E80, $0x38;
	[tilespmem:$0x4100] =	vst v63  }
0x3c: {  	_ =	swait.ge [sflag:s17], $0x3E80  }
0x3d: {  	[sflag:s17] =	ssyncset.done $0x0  }
0x3e: {  	[sflag:s17] =	ssyncadd.s32 $0xFFFFC180  }
0x3f: {  	[hbm4b:s12+s4] =	stream.linear.scatter [tilespmem:s4], [sflag:$0x2], $0x3E80, $0x38;
	[tilespmem:$0x4100] =	vst v63  }
0x40: {  	_ =	swait.ge [sflag:s17], $0x3E80  }
0x41: {  	[sflag:s17] =	ssyncset.done $0x0  }
0x42: {  	[sflag:s17] =	ssyncadd.s32 $0xFFFFC180  }
0x43: {  	[hbm4b:s13+s4] =	stream.linear.scatter [tilespmem:s4], [sflag:$0x2], $0x3E80, $0x38;
	[tilespmem:$0x4100] =	vst v63  }
0x44: {  	_ =	swait.ge [sflag:s17], $0x3E80  }
0x45: {  	[sflag:s17] =	ssyncset.done $0x0  }
0x46: {  	[sflag:s17] =	ssyncadd.s32 $0xFFFFC180  }
0x47: {  	[hbm4b:s14+s4] =	stream.linear.scatter [tilespmem:s4], [sflag:$0x2], $0x3E80, $0x38;
	[tilespmem:$0x4100] =	vst v63  }
0x48: {  	_ =	swait.ge [sflag:s17], $0x3E80  }
0x49: {  	[sflag:s17] =	ssyncset.done $0x0  }
0x4a: {  	[sflag:s17] =	ssyncadd.s32 $0xFFFFC180  }
0x4b: {  	_ =	swait.ge [sflag:s21], $0x20  }
0x4c: {  	[sflag:s21] =	ssyncset.done $0x0  }
0x4d: {  	[sflag:s21] =	ssyncadd.s32 $0xFFFFFFE0  }
0x4e: {  	v12 =	vld [tilespmem:$0x3F80];
	_ =	sdelay $0x4  }
0x4f: {  	v13 =	vperm.xlane v12, v3;
	_ =	sdelay $0x1  }
0x50: {  	v13 =	vmin.f32 v12, v13  }
0x51: {  	v14 =	vperm.xlane v13, v4;
	_ =	sdelay $0x1  }
0x52: {  	v13 =	vmin.f32 v13, v14  }
0x53: {  	v14 =	vperm.xlane v13, v5;
	_ =	sdelay $0x1  }
0x54: {  	v13 =	vmin.f32 v13, v14  }
0x55: {  	v12 =	vsub.f32 v13, v12;
	_ =	sdelay $0x1  }
0x56: {  	v12 =	vmul.f32 $1.000000010e-01, v12;
	_ =	sdelay $0x1  }
0x57: {  	v12 =	vmul.f32 $1.442695020e+00, v12;
	_ =	sdelay $0x1  }
0x58: {  	(erf) = vpow2.f32 v12;
	_ =	sdelay $0x2  }
0x59: {  	v24 =	vld [tilespmem:$0x3F90];
	_ =	sdelay $0x4  }
0x5a: {  	v25 =	vperm.xlane v24, v3  }
0x5b: {  	v26 =	vpop (erf)  }
0x5c: {  	v13 =	vmin.f32 v24, v25;
	v15 =	vperm.xlane v26, v3  }
0x5d: {  	v16 =	vperm.xlane v13, v4  }
0x5e: {  	v15 =	vadd.f32 v26, v15  }
0x5f: {  	v13 =	vmin.f32 v13, v16  }
0x60: {  	v17 =	vperm.xlane v13, v5;
	v27 =	vperm.xlane v15, v4;
	_ =	sdelay $0x1  }
0x61: {  	v13 =	vmin.f32 v13, v17;
	v15 =	vadd.f32 v15, v27  }
0x62: {  	v12 =	vsub.f32 v13, v24  }
0x63: {  	v28 =	vperm.xlane v15, v5  }
0x64: {  	v12 =	vmul.f32 $1.000000010e-01, v12  }
0x65: {  	v13 =	vadd.f32 v15, v28  }
0x66: {  	v12 =	vmul.f32 $1.442695020e+00, v12  }
0x67: {  	(erf) = vrcp.f32 v13  }
0x68: {  	(erf) = vpow2.f32 v12;
	_ =	sdelay $0x7  }
0x69: {  	v29 =	vpop (erf)  }
0x6a: {  	v30 =	vpop (erf)  }
0x6b: {  	v31 =	vperm.xlane v30, v3;
	_ =	sdelay $0x1  }
0x6c: {  	v15 =	vadd.f32 v30, v31;
	_ =	sdelay $0x1  }
0x6d: {  	v32 =	vperm.xlane v15, v4;
	_ =	sdelay $0x1  }
0x6e: {  	v33 =	vld [tilespmem:$0x3F00];
	v15 =	vadd.f32 v15, v32;
	_ =	sdelay $0x1  }
0x6f: {  	v16 =	vperm.xlane v15, v5  }
0x70: {  	v18 =	vld [tilespmem:$0x3F10]  }
0x71: {  	v15 =	vadd.f32 v15, v16  }
0x72: {  	v34 =	vperm.xlane v33, v6  }
0x73: {  	v36 =	vperm.xlane v33, v7;
	(erf) = vrcp.f32 v15  }
0x74: {  	v38 =	vperm.xlane v33, v8;
	v39 =	vperm.xlane v33, v5  }
0x75: {  	v41 =	vperm.xlane v33, v9;
	v43 =	vperm.xlane v18, v6  }
0x76: {  	v45 =	vperm.xlane v18, v7;
	v47 =	vperm.xlane v18, v8  }
0x77: {  	v21 =	vperm.xlane v33, v10;
	v51 =	vperm.xlane v18, v5  }
0x78: {  	v53 =	vperm.xlane v18, v9;
	v12 =	vmul.f32 v29, v26  }
0x79: {  	v56 =	vperm.xlane v33, v11;
	v57 =	vperm.xlane v18, v10  }
0x7a: {  	v59 =	vperm.xlane v18, v11;
	v61 =	vadd.s32 v0, v33;
	v35 =	vperm.xlane v12, v6  }
0x7b: {  	vm0 =	veq.s32 v34, v33;
	vm15 =	veq.s32 v36, v33;
	vm4 =	veq.s32 v38, v33  }
0x7c: {  	vm5 =	veq.s32 v39, v33;
	v37 =	vperm.xlane v12, v7;
	v15 =	vnsel vm0, $0x0, v35;
	v20 =	vpop (erf)  }
0x7d: {  	vm6 =	veq.s32 v41, v33;
	v15 =	vadd.f32 v12, v15;
	v13 =	vmul.f32 v20, v30  }
0x7e: {  	vm7 =	veq.s32 v43, v18;
	v19 =	vperm.xlane v12, v8;
	v16 =	vnsel vm15, $0x0, v37  }
0x7f: {  	vm8 =	veq.s32 v45, v18;
	v15 =	vadd.f32 v15, v16;
	v44 =	vperm.xlane v13, v6  }
0x80: {  	vm9 =	veq.s32 v47, v18;
	vm10 =	veq.s32 v21, v33;
	v14 =	vnsel vm4, $0x0, v19  }
0x81: {  	v14 =	vadd.f32 v15, v14;
	v46 =	vperm.xlane v13, v7;
	v15 =	vnsel vm7, $0x0, v44  }
0x82: {  	vm11 =	veq.s32 v51, v18;
	v40 =	vperm.xlane v12, v5;
	v15 =	vadd.f32 v13, v15  }
0x83: {  	vm12 =	veq.s32 v53, v18;
	v49 =	vperm.xlane v13, v8;
	v48 =	vnsel vm8, $0x0, v46  }
0x84: {  	v42 =	vperm.xlane v12, v9;
	v19 =	vnsel vm5, $0x0, v40;
	v15 =	vadd.f32 v15, v48  }
0x85: {  	v14 =	vadd.f32 v19, v14;
	v52 =	vperm.xlane v13, v5;
	v19 =	vnsel vm9, $0x0, v49  }
0x86: {  	vm13 =	veq.s32 v56, v33;
	v50 =	vperm.xlane v12, v10;
	v15 =	vadd.f32 v15, v19  }
0x87: {  	v16 =	vnsel vm6, $0x0, v42;
	v55 =	vperm.xlane v13, v9;
	v54 =	vnsel vm11, $0x0, v52  }
0x88: {  	v12 =	vperm.xlane v12, v11;
	v14 =	vadd.f32 v16, v14;
	v15 =	vadd.f32 v54, v15  }
0x89: {  	v16 =	vnsel vm10, $0x0, v50;
	v58 =	vperm.xlane v13, v10;
	v19 =	vnsel vm12, $0x0, v55  }
0x8a: {  	vm14 =	veq.s32 v57, v18;
	v14 =	vadd.f32 v16, v14;
	v15 =	vadd.f32 v19, v15  }
0x8b: {  	v12 =	vnsel vm13, $0x0, v12;
	v60 =	vnsel vm14, $0x0, v58;
	v13 =	vperm.xlane v13, v11  }
0x8c: {  	vm15 =	veq.s32 v59, v18;
	v12 =	vadd.f32 v12, v14;
	v14 =	vadd.f32 v60, v15  }
0x8d: {  	v63 =	vadd.s32 v1, v18;
	[tilespmem:$0x4000] =	vst v61;
	v13 =	vnsel vm15, $0x0, v13  }
0x8e: {  	s24 =	sadd.s32 $0x1, s24;
	[tilespmem:$0x4010] =	vst v63;
	v62 =	vadd.f32 v13, v14  }
0x8f: {  	p0 =	sne.s32 s24, s15;
	[tilespmem:$0x4080] =	vst v12  }
.Ltmp1:
0x90: {  	[tilespmem:$0x4090] =	vst v62;
	(pc) =	sbr.rel @p0 .LBB2_1-.Ltmp1, $4  }
0x91: {  	[hbm4b:s3+s18] =	stream.indirect.scatter [tilespmem:s23], [sflag:$0x1], $0x1, s22, s18, $0xb8;
	[tilespmem:$0x4100] =	vst v63  }
0x92: {  	_ =	swait.ge [sflag:s21], $0x20  }
0x93: {  	[sflag:s21] =	ssyncset.done $0x0  }
0x94: {  	[sflag:s21] =	ssyncadd.s32 $0xFFFFFFE0  }
0x95: {  	_ =	sfence.sel $0x180000  }
0x96: {  	[bflag:$0x0] =	sbarrier.arrive $0xFFFF  }
0x97: {  	p0 =	sne.s32 s0, $0x0;
	_ =	strace $0x90000047  }
0x98: {  	s0 =	sadd.s32 @!p0 $0x100000, s2;
	[bflag:$0x2] =	sbarrier.arrive $0xFFFF  }
0x99: {  	[sflag:s0] =	ssyncadd.tile.s32 @!p0 $0x1;
	_ =	shalt  }
.Lfunc_end2:
_tile_overlayer_lowered:
.L_overlay_start_2:
0x9a: {  	(tag) =	ssettag $0x2  }
0x9b: {  	s0 =	rddreg [dreg:$0x0];
	s2 =	stileid.u32  }
0x9c: {  	s1 =	rddreg [dreg:$0x1];
	p0 =	sne.s32 s2, $0x0  }
0x9d: {  	s3 =	rddreg [dreg:$0x2];
	[bflag:$0x3] =	sbarrier.arrive $0xFFFF;
	s2 =	simm.s32 @!p0 $0x1C02  }
0x9e: {  	[timem:s3], [sflag:s2] =	dma.local @!p0 [hbm:s0], s1  }
0x9f: {  	s0 =	simm.s32 @!p0 $0x2  }
0xa0: {  	_ =	swait.ge @!p0 [sflag:s0], s1  }
0xa1: {  	s1 =	ssub.s32 @!p0 $0x0, s1;
	[sflag:s0] =	ssyncset.done @!p0 $0x0  }
0xa2: {  	[sflag:s0] =	ssyncadd.s32 @!p0 s1  }
0xa3: {  	[bflag:$0x3] =	sbarrier.arrive $0xFFFF  }
0xa4: {  	_ =	shalt  }

</sc_bundles>
